<compile_context>
chip_gen: v7x
topology: tpu7x:2x2x1
jax: 0.10.2.dev20260603
libtpu: 0.0.44.dev20260713+nightly
codegen_flags: <defaults>
</compile_context>

<pallas_src>
import functools

import jax
import jax.numpy as jnp
from jax import lax
from jax.experimental import pallas as pl
from jax.experimental.pallas import tpu as pltpu
from jax.experimental.pallas import tpu_sc as plsc

NC = 2
NS = 16
NW = NC * NS
CH = 128



def _proj_body(x_ref, w_ref, o_ref):
    o_ref[...] = jnp.dot(x_ref[...], w_ref[...],
                         preferred_element_type=jnp.float32)


def _mid_body(a_ref, d_ref, w1_ref, q_ref, degc_ref):
    s = a_ref[0] + a_ref[1]
    deg = d_ref[0] + d_ref[1]
    degc = jnp.maximum(deg, 1.0)
    z = jnp.tanh(jnp.tanh(s / degc))
    h1 = jnp.where(z >= 0, z, 0.2 * z)
    q_ref[...] = jnp.dot(h1, w1_ref[...], preferred_element_type=jnp.float32)
    degc_ref[...] = degc


def _final_body(b_ref, degc_ref, batch_ref, wc_ref, bc_ref, o_ref):
    s = b_ref[0] + b_ref[1]
    z = jnp.tanh(jnp.tanh(s / degc_ref[...]))
    h2 = jnp.where(z >= 0, z, 0.2 * z)
    n = batch_ref.shape[1]
    g = o_ref.shape[0]
    gids = lax.broadcasted_iota(jnp.int32, (g, n), 0)
    onehot_t = (gids == batch_ref[...]).astype(jnp.float32)
    pooled = jnp.dot(onehot_t, h2, preferred_element_type=jnp.float32)
    cnt = jnp.sum(onehot_t, axis=1, keepdims=True)
    pooled = pooled / jnp.maximum(cnt, 1.0)
    o_ref[...] = (jnp.dot(pooled, wc_ref[...],
                          preferred_element_type=jnp.float32)
                  + bc_ref[...])



def _edge_pass(n, npad, nch, with_deg):
    zpt = npad // NS

    mesh = plsc.VectorSubcoreMesh(core_axis_name="c", subcore_axis_name="s")
    out_type = [jax.ShapeDtypeStruct((NC, npad, 16), jnp.float32)]
    scratch = [
        pltpu.VMEM_SHARED((npad, 16), jnp.float32),
        pltpu.VMEM((nch, CH), jnp.int32),
        pltpu.VMEM((nch, CH), jnp.int32),
        pltpu.VMEM((CH, 16), jnp.float32),
        pltpu.VMEM((zpt, 16), jnp.float32),
        pltpu.SemaphoreType.DMA,
    ]
    if with_deg:
        out_type.append(jax.ShapeDtypeStruct((NC, npad, 16), jnp.float32))
        scratch.insert(1, pltpu.VMEM_SHARED((npad, 16), jnp.float32))
        scratch.insert(-1, pltpu.VMEM((CH, 16), jnp.float32))

    def body_deg(table_h, src_h, dst_h, z_h, ones_h, acc_h, deg_h,
                 acc_s, deg_s, srcb, dstb, rows, zbuf, onesb, sem):
        cid = lax.axis_index("c")
        sid = lax.axis_index("s")
        pltpu.sync_copy(src_h.at[cid, sid], srcb)
        pltpu.sync_copy(dst_h.at[cid, sid], dstb)
        pltpu.sync_copy(z_h, zbuf)
        pltpu.sync_copy(ones_h, onesb)
        r0 = sid * zpt
        pltpu.sync_copy(zbuf, acc_s.at[pl.ds(r0, zpt)])
        pltpu.sync_copy(zbuf, deg_s.at[pl.ds(r0, zpt)])
        plsc.subcore_barrier()

        def step(j, carry):
            pltpu.async_copy(table_h.at[srcb.at[j]], rows, sem).wait()
            pltpu.sync_copy(rows, acc_s.at[dstb.at[j]], add=True)
            pltpu.sync_copy(onesb, deg_s.at[dstb.at[j]], add=True)
            return carry

        lax.fori_loop(0, nch, step, 0)
        plsc.subcore_barrier()
        pltpu.sync_copy(acc_s.at[pl.ds(r0, zpt)], acc_h.at[cid, pl.ds(r0, zpt)])
        pltpu.sync_copy(deg_s.at[pl.ds(r0, zpt)], deg_h.at[cid, pl.ds(r0, zpt)])

    def body_nodeg(table_h, src_h, dst_h, z_h, acc_h,
                   acc_s, srcb, dstb, rows, zbuf, sem):
        cid = lax.axis_index("c")
        sid = lax.axis_index("s")
        pltpu.sync_copy(src_h.at[cid, sid], srcb)
        pltpu.sync_copy(dst_h.at[cid, sid], dstb)
        pltpu.sync_copy(z_h, zbuf)
        r0 = sid * zpt
        pltpu.sync_copy(zbuf, acc_s.at[pl.ds(r0, zpt)])
        plsc.subcore_barrier()

        def step(j, carry):
            pltpu.async_copy(table_h.at[srcb.at[j]], rows, sem).wait()
            pltpu.sync_copy(rows, acc_s.at[dstb.at[j]], add=True)
            return carry

        lax.fori_loop(0, nch, step, 0)
        plsc.subcore_barrier()
        pltpu.sync_copy(acc_s.at[pl.ds(r0, zpt)], acc_h.at[cid, pl.ds(r0, zpt)])

    body = body_deg if with_deg else body_nodeg
    return pl.kernel(body, out_type=tuple(out_type), mesh=mesh,
                     scratch_types=tuple(scratch),
                     compiler_params=pltpu.CompilerParams(
                         use_tc_tiling_on_sc=False))


@functools.lru_cache(maxsize=None)
def _edge_pass_cached(n, npad, nch, with_deg):
    return _edge_pass(n, npad, nch, with_deg)


def kernel(x, edge_index, batch, W0, W1, Wc, bc):
    n, d = x.shape
    e = edge_index.shape[1]
    nq = W0.shape[1]
    g = 64
    out_dim = Wc.shape[1]

    per = NW * CH
    e_pad = ((e + per - 1) // per) * per
    nch = e_pad // per
    rpt = 8 * NS
    npad = ((n + rpt - 1) // rpt) * rpt
    if npad == n:
        npad += rpt

    src = edge_index[0]
    dst = edge_index[1]
    pad = e_pad - e
    if pad:
        src = jnp.concatenate([src, jnp.zeros((pad,), jnp.int32)])
        dst = jnp.concatenate([dst, jnp.full((pad,), n, jnp.int32)])
    src = src.reshape(NC, NS, nch, CH)
    dst = dst.reshape(NC, NS, nch, CH)
    zeros_st = jnp.zeros((npad // NS, nq), jnp.float32)
    ones_st = jnp.ones((CH, nq), jnp.float32)

    p = pl.pallas_call(
        _proj_body,
        out_shape=jax.ShapeDtypeStruct((n, nq), jnp.float32),
    )(x, W0)

    acc1, deg1 = _edge_pass_cached(n, npad, nch, True)(
        p, src, dst, zeros_st, ones_st)
    acc1 = acc1[:, :n]
    deg1 = deg1[:, :n]

    q, degc = pl.pallas_call(
        _mid_body,
        out_shape=(jax.ShapeDtypeStruct((n, nq), jnp.float32),
                   jax.ShapeDtypeStruct((n, nq), jnp.float32)),
    )(acc1, deg1, W1)

    (acc2,) = _edge_pass_cached(n, npad, nch, False)(q, src, dst, zeros_st)
    acc2 = acc2[:, :n]

    out = pl.pallas_call(
        _final_body,
        out_shape=jax.ShapeDtypeStruct((g, out_dim), jnp.float32),
    )(acc2, degc, batch.reshape(1, n), Wc, bc.reshape(1, out_dim))
    return out

# --- scband reference (transcript-rebuilt; emitter-appended) ---
"""Pipeline reference for scband-qgcn-33990371181110 (READ-ONLY COPY).

The authoritative reference and input builder live on the scoring server;
editing this copy changes nothing except your own understanding.
"""

import jax, jax.numpy as jnp
import numpy as np

N = 10000
E = 320000
D = 128
NQ = 16
G = 64
OUT = 10
Q_DEPTHS = [2, 2]


def setup_inputs(seed: int = 0):
    key = jax.random.key(seed)
    ks = jax.random.split(key, 8)
    x = jax.random.normal(ks[0], (N, D), dtype=jnp.float32)
    edge_index = jax.random.randint(ks[1], (2, E), 0, N, dtype=jnp.int32)
    batch = jnp.sort(jax.random.randint(ks[2], (N,), 0, G, dtype=jnp.int32))
    W0 = jax.random.normal(ks[3], (D, NQ), dtype=jnp.float32) * 0.05
    W1 = jax.random.normal(ks[4], (NQ, NQ), dtype=jnp.float32) * 0.05
    Wc = jax.random.normal(ks[5], (NQ, OUT), dtype=jnp.float32) * 0.05
    bc = jnp.zeros((OUT,), dtype=jnp.float32)
    return {"x": x, "edge_index": edge_index, "batch": batch,
            "W0": W0, "W1": W1, "Wc": Wc, "bc": bc}


def _leaky_relu(v, slope=0.2):
    return jnp.where(v >= 0, v, slope * v)


def _qgcn_conv(h, W, edge_index, q_depth):
    # Mean-aggregation GCN conv; the parameterized quantum circuit of depth
    # q_depth is emulated by a linear map to n_qubits followed by q_depth
    # bounded nonlinearities (tanh), mirroring rotation-layer saturation.
    src = edge_index[0]
    dst = edge_index[1]
    m = h[src]
    agg = jax.ops.segment_sum(m, dst, num_segments=N)
    deg = jax.ops.segment_sum(jnp.ones((E,), jnp.float32), dst, num_segments=N)
    agg = agg / jnp.maximum(deg, 1.0)[:, None]
    z = agg @ W
    for _ in range(q_depth):
        z = jnp.tanh(z)
    return z


def reference(x, edge_index, batch, W0, W1, Wc, bc):
    h = x
    for W, qd in zip([W0, W1], Q_DEPTHS):
        h = _qgcn_conv(h, W, edge_index, qd)
        h = _leaky_relu(h)
    # global_mean_pool over graphs
    s = jax.ops.segment_sum(h, batch, num_segments=G)
    cnt = jax.ops.segment_sum(jnp.ones((N,), jnp.float32), batch, num_segments=G)
    pooled = s / jnp.maximum(cnt, 1.0)[:, None]
    out = pooled @ Wc + bc
    return out

if __name__ == "__main__":
    import jax
    _d = setup_inputs()
    print(jax.jit(kernel)(*tuple(_d.values())))

</pallas_src>

<mosaic_0001>
#map = affine_map<(d0, d1) -> (0, 0)>
#map1 = affine_map<(d0, d1) -> (0, 0, 0, 0)>
#map2 = affine_map<(d0, d1) -> (0, 0, 0)>
module attributes {stable_mosaic.version = 14 : i64} {
  func.func @body_deg(%arg0: i32, %arg1: i32, %arg2: memref<10000x16xf32, #tpu.memory_space<hbm>>, %arg3: memref<2x16x79x128xi32, #tpu.memory_space<hbm>>, %arg4: memref<2x16x79x128xi32, #tpu.memory_space<hbm>>, %arg5: memref<632x16xf32, #tpu.memory_space<hbm>>, %arg6: memref<128x16xf32, #tpu.memory_space<hbm>>, %arg7: memref<2x10112x16xf32, #tpu.memory_space<hbm>>, %arg8: memref<2x10112x16xf32, #tpu.memory_space<hbm>>, %arg9: memref<10112x16xf32, #tpu.memory_space<vmem_shared>>, %arg10: memref<10112x16xf32, #tpu.memory_space<vmem_shared>>, %arg11: memref<79x128xi32, #tpu.memory_space<vmem>>, %arg12: memref<79x128xi32, #tpu.memory_space<vmem>>, %arg13: memref<128x16xf32, #tpu.memory_space<vmem>>, %arg14: memref<632x16xf32, #tpu.memory_space<vmem>>, %arg15: memref<128x16xf32, #tpu.memory_space<vmem>>, %arg16: memref<!tpu.dma_semaphore, #tpu.memory_space<semaphore_mem>>) attributes {dimension_semantics = [#tpu.dimension_semantics<core_parallel>, #tpu.dimension_semantics<subcore_parallel>], iteration_bounds = array<i64: 2, 16>, scalar_prefetch = 0 : i64, scratch_operands = 8 : i64, tpu.core_type = #tpu.core_type<sc_vector_subcore>, window_params = [{transform_indices = #map}, {transform_indices = #map1}, {transform_indices = #map1}, {transform_indices = #map}, {transform_indices = #map}, {transform_indices = #map2}, {transform_indices = #map2}]} {
    "tpu.region"() ({
      %run_scoped3A = tpu.sem_alloc : memref<!tpu.dma_semaphore, #tpu.memory_space<semaphore_mem>>
      %dma_start3A = arith.constant 0 : i32
      %dma_start3A_7 = arith.constant 0 : i32
      %dma_start3A_8 = tpu.memref_slice %arg3[%arg0, %arg1, %dma_start3A, %dma_start3A_7] : memref<2x16x79x128xi32, #tpu.memory_space<hbm>> -> memref<1x1x79x128xi32, #tpu.memory_space<hbm>>
      %dma_start3A_9 = tpu.memref_squeeze %dma_start3A_8 : memref<1x1x79x128xi32, #tpu.memory_space<hbm>> -> memref<79x128xi32, #tpu.memory_space<hbm>>
      %dma_start3A_10 = arith.constant 0 : i32
      %dma_start3A_11 = arith.constant 0 : i32
      %dma_start3A_12 = tpu.memref_slice %arg3[%arg0, %arg1, %dma_start3A_10, %dma_start3A_11] : memref<2x16x79x128xi32, #tpu.memory_space<hbm>> -> memref<1x1x79x128xi32, #tpu.memory_space<hbm>>
      %dma_start3A_13 = tpu.memref_squeeze %dma_start3A_12 : memref<1x1x79x128xi32, #tpu.memory_space<hbm>> -> memref<79x128xi32, #tpu.memory_space<hbm>>
      tpu.enqueue_dma source(%dma_start3A_13 : memref<79x128xi32, #tpu.memory_space<hbm>>) target(%arg11 : memref<79x128xi32, #tpu.memory_space<vmem>>) target_semaphore(%run_scoped3A : memref<!tpu.dma_semaphore, #tpu.memory_space<semaphore_mem>>)
      %dma_wait3A = arith.constant 0 : i32
      %dma_wait3A_14 = arith.constant 0 : i32
      %dma_wait3A_15 = tpu.memref_slice %arg3[%arg0, %arg1, %dma_wait3A, %dma_wait3A_14] : memref<2x16x79x128xi32, #tpu.memory_space<hbm>> -> memref<1x1x79x128xi32, #tpu.memory_space<hbm>>
      %dma_wait3A_16 = tpu.memref_squeeze %dma_wait3A_15 : memref<1x1x79x128xi32, #tpu.memory_space<hbm>> -> memref<79x128xi32, #tpu.memory_space<hbm>>
      %dma_wait3A_17 = arith.constant 0 : i32
      %dma_wait3A_18 = arith.constant 0 : i32
      %dma_wait3A_19 = tpu.memref_slice %arg3[%arg0, %arg1, %dma_wait3A_17, %dma_wait3A_18] : memref<2x16x79x128xi32, #tpu.memory_space<hbm>> -> memref<1x1x79x128xi32, #tpu.memory_space<hbm>>
      %dma_wait3A_20 = tpu.memref_squeeze %dma_wait3A_19 : memref<1x1x79x128xi32, #tpu.memory_space<hbm>> -> memref<79x128xi32, #tpu.memory_space<hbm>>
      tpu.wait_dma2 semaphore(%run_scoped3A : memref<!tpu.dma_semaphore, #tpu.memory_space<semaphore_mem>>) src(%dma_wait3A_20 : memref<79x128xi32, #tpu.memory_space<hbm>>) dst(%arg11 : memref<79x128xi32, #tpu.memory_space<vmem>>)
      tpu.yield
    }) : () -> ()
    "tpu.region"() ({
      %run_scoped3A = tpu.sem_alloc : memref<!tpu.dma_semaphore, #tpu.memory_space<semaphore_mem>>
      %dma_start3A = arith.constant 0 : i32
      %dma_start3A_7 = arith.constant 0 : i32
      %dma_start3A_8 = tpu.memref_slice %arg4[%arg0, %arg1, %dma_start3A, %dma_start3A_7] : memref<2x16x79x128xi32, #tpu.memory_space<hbm>> -> memref<1x1x79x128xi32, #tpu.memory_space<hbm>>
      %dma_start3A_9 = tpu.memref_squeeze %dma_start3A_8 : memref<1x1x79x128xi32, #tpu.memory_space<hbm>> -> memref<79x128xi32, #tpu.memory_space<hbm>>
      %dma_start3A_10 = arith.constant 0 : i32
      %dma_start3A_11 = arith.constant 0 : i32
      %dma_start3A_12 = tpu.memref_slice %arg4[%arg0, %arg1, %dma_start3A_10, %dma_start3A_11] : memref<2x16x79x128xi32, #tpu.memory_space<hbm>> -> memref<1x1x79x128xi32, #tpu.memory_space<hbm>>
      %dma_start3A_13 = tpu.memref_squeeze %dma_start3A_12 : memref<1x1x79x128xi32, #tpu.memory_space<hbm>> -> memref<79x128xi32, #tpu.memory_space<hbm>>
      tpu.enqueue_dma source(%dma_start3A_13 : memref<79x128xi32, #tpu.memory_space<hbm>>) target(%arg12 : memref<79x128xi32, #tpu.memory_space<vmem>>) target_semaphore(%run_scoped3A : memref<!tpu.dma_semaphore, #tpu.memory_space<semaphore_mem>>)
      %dma_wait3A = arith.constant 0 : i32
      %dma_wait3A_14 = arith.constant 0 : i32
      %dma_wait3A_15 = tpu.memref_slice %arg4[%arg0, %arg1, %dma_wait3A, %dma_wait3A_14] : memref<2x16x79x128xi32, #tpu.memory_space<hbm>> -> memref<1x1x79x128xi32, #tpu.memory_space<hbm>>
      %dma_wait3A_16 = tpu.memref_squeeze %dma_wait3A_15 : memref<1x1x79x128xi32, #tpu.memory_space<hbm>> -> memref<79x128xi32, #tpu.memory_space<hbm>>
      %dma_wait3A_17 = arith.constant 0 : i32
      %dma_wait3A_18 = arith.constant 0 : i32
      %dma_wait3A_19 = tpu.memref_slice %arg4[%arg0, %arg1, %dma_wait3A_17, %dma_wait3A_18] : memref<2x16x79x128xi32, #tpu.memory_space<hbm>> -> memref<1x1x79x128xi32, #tpu.memory_space<hbm>>
      %dma_wait3A_20 = tpu.memref_squeeze %dma_wait3A_19 : memref<1x1x79x128xi32, #tpu.memory_space<hbm>> -> memref<79x128xi32, #tpu.memory_space<hbm>>
      tpu.wait_dma2 semaphore(%run_scoped3A : memref<!tpu.dma_semaphore, #tpu.memory_space<semaphore_mem>>) src(%dma_wait3A_20 : memref<79x128xi32, #tpu.memory_space<hbm>>) dst(%arg12 : memref<79x128xi32, #tpu.memory_space<vmem>>)
      tpu.yield
    }) : () -> ()
    "tpu.region"() ({
      %run_scoped3A = tpu.sem_alloc : memref<!tpu.dma_semaphore, #tpu.memory_space<semaphore_mem>>
      tpu.enqueue_dma source(%arg5 : memref<632x16xf32, #tpu.memory_space<hbm>>) target(%arg14 : memref<632x16xf32, #tpu.memory_space<vmem>>) target_semaphore(%run_scoped3A : memref<!tpu.dma_semaphore, #tpu.memory_space<semaphore_mem>>)
      tpu.wait_dma2 semaphore(%run_scoped3A : memref<!tpu.dma_semaphore, #tpu.memory_space<semaphore_mem>>) src(%arg5 : memref<632x16xf32, #tpu.memory_space<hbm>>) dst(%arg14 : memref<632x16xf32, #tpu.memory_space<vmem>>)
      tpu.yield
    }) : () -> ()
    "tpu.region"() ({
      %run_scoped3A = tpu.sem_alloc : memref<!tpu.dma_semaphore, #tpu.memory_space<semaphore_mem>>
      tpu.enqueue_dma source(%arg6 : memref<128x16xf32, #tpu.memory_space<hbm>>) target(%arg15 : memref<128x16xf32, #tpu.memory_space<vmem>>) target_semaphore(%run_scoped3A : memref<!tpu.dma_semaphore, #tpu.memory_space<semaphore_mem>>)
      tpu.wait_dma2 semaphore(%run_scoped3A : memref<!tpu.dma_semaphore, #tpu.memory_space<semaphore_mem>>) src(%arg6 : memref<128x16xf32, #tpu.memory_space<hbm>>) dst(%arg15 : memref<128x16xf32, #tpu.memory_space<vmem>>)
      tpu.yield
    }) : () -> ()
    %mul3A = arith.constant 632 : i32
    %mul3A_0 = arith.muli %arg1, %mul3A : i32
    "tpu.region"() ({
      %run_scoped3A = tpu.sem_alloc : memref<!tpu.dma_semaphore, #tpu.memory_space<semaphore_mem>>
      %dma_start3A = arith.constant 0 : i32
      %dma_start3A_7 = tpu.memref_slice %arg9[%mul3A_0, %dma_start3A] : memref<10112x16xf32, #tpu.memory_space<vmem_shared>> -> memref<632x16xf32, #tpu.memory_space<vmem_shared>>
      %dma_start3A_8 = arith.constant 0 : i32
      %dma_start3A_9 = tpu.memref_slice %arg9[%mul3A_0, %dma_start3A_8] : memref<10112x16xf32, #tpu.memory_space<vmem_shared>> -> memref<632x16xf32, #tpu.memory_space<vmem_shared>>
      tpu.enqueue_dma source(%arg14 : memref<632x16xf32, #tpu.memory_space<vmem>>) target(%dma_start3A_9 : memref<632x16xf32, #tpu.memory_space<vmem_shared>>) target_semaphore(%run_scoped3A : memref<!tpu.dma_semaphore, #tpu.memory_space<semaphore_mem>>)
      %dma_wait3A = arith.constant 0 : i32
      %dma_wait3A_10 = tpu.memref_slice %arg9[%mul3A_0, %dma_wait3A] : memref<10112x16xf32, #tpu.memory_space<vmem_shared>> -> memref<632x16xf32, #tpu.memory_space<vmem_shared>>
      %dma_wait3A_11 = arith.constant 0 : i32
      %dma_wait3A_12 = tpu.memref_slice %arg9[%mul3A_0, %dma_wait3A_11] : memref<10112x16xf32, #tpu.memory_space<vmem_shared>> -> memref<632x16xf32, #tpu.memory_space<vmem_shared>>
      tpu.wait_dma2 semaphore(%run_scoped3A : memref<!tpu.dma_semaphore, #tpu.memory_space<semaphore_mem>>) src(%arg14 : memref<632x16xf32, #tpu.memory_space<vmem>>) dst(%dma_wait3A_12 : memref<632x16xf32, #tpu.memory_space<vmem_shared>>)
      tpu.yield
    }) : () -> ()
    "tpu.region"() ({
      %run_scoped3A = tpu.sem_alloc : memref<!tpu.dma_semaphore, #tpu.memory_space<semaphore_mem>>
      %dma_start3A = arith.constant 0 : i32
      %dma_start3A_7 = tpu.memref_slice %arg10[%mul3A_0, %dma_start3A] : memref<10112x16xf32, #tpu.memory_space<vmem_shared>> -> memref<632x16xf32, #tpu.memory_space<vmem_shared>>
      %dma_start3A_8 = arith.constant 0 : i32
      %dma_start3A_9 = tpu.memref_slice %arg10[%mul3A_0, %dma_start3A_8] : memref<10112x16xf32, #tpu.memory_space<vmem_shared>> -> memref<632x16xf32, #tpu.memory_space<vmem_shared>>
      tpu.enqueue_dma source(%arg14 : memref<632x16xf32, #tpu.memory_space<vmem>>) target(%dma_start3A_9 : memref<632x16xf32, #tpu.memory_space<vmem_shared>>) target_semaphore(%run_scoped3A : memref<!tpu.dma_semaphore, #tpu.memory_space<semaphore_mem>>)
      %dma_wait3A = arith.constant 0 : i32
      %dma_wait3A_10 = tpu.memref_slice %arg10[%mul3A_0, %dma_wait3A] : memref<10112x16xf32, #tpu.memory_space<vmem_shared>> -> memref<632x16xf32, #tpu.memory_space<vmem_shared>>
      %dma_wait3A_11 = arith.constant 0 : i32
      %dma_wait3A_12 = tpu.memref_slice %arg10[%mul3A_0, %dma_wait3A_11] : memref<10112x16xf32, #tpu.memory_space<vmem_shared>> -> memref<632x16xf32, #tpu.memory_space<vmem_shared>>
      tpu.wait_dma2 semaphore(%run_scoped3A : memref<!tpu.dma_semaphore, #tpu.memory_space<semaphore_mem>>) src(%arg14 : memref<632x16xf32, #tpu.memory_space<vmem>>) dst(%dma_wait3A_12 : memref<632x16xf32, #tpu.memory_space<vmem_shared>>)
      tpu.yield
    }) : () -> ()
    %barrier3A = arith.constant 0 : index
    tpu.barrier barrier_id(%barrier3A)
    %scan3A = arith.constant 0 : i32
    %scan3A_1 = arith.constant 0 : i32
    %scan3A_2 = arith.constant 79 : i32
    %scan3A_3 = arith.addi %scan3A_1, %scan3A_2 : i32
    %scan3A_4 = arith.constant 1 : i32
    scf.for %scan3A_7 = %scan3A_1 to %scan3A_3 step %scan3A_4  : i32 {
      %dma_start3A = arith.constant 0 : i32
      %dma_start3A_8 = tpu.memref_slice %arg11[%scan3A_7, %dma_start3A] : memref<79x128xi32, #tpu.memory_space<vmem>> -> memref<1x128xi32, #tpu.memory_space<vmem>>
      %dma_start3A_9 = tpu.memref_squeeze %dma_start3A_8 : memref<1x128xi32, #tpu.memory_space<vmem>> -> memref<128xi32, #tpu.memory_space<vmem>>
      %dma_start3A_10 = arith.constant 0 : i32
      %dma_start3A_11 = arith.constant 0 : i32
      %dma_start3A_12 = tpu.memref_slice %arg2[%dma_start3A_10, %dma_start3A_11] : memref<10000x16xf32, #tpu.memory_space<hbm>> -> memref<10000x16xf32, #tpu.memory_space<hbm>>
      tpu.enqueue_indirect_dma source(%dma_start3A_12 : memref<10000x16xf32, #tpu.memory_space<hbm>>) target(%arg13 : memref<128x16xf32, #tpu.memory_space<vmem>>) offsets(%dma_start3A_9 : memref<128xi32, #tpu.memory_space<vmem>>) semaphore(%arg16 : memref<!tpu.dma_semaphore, #tpu.memory_space<semaphore_mem>>)
      %dma_wait3A = arith.constant 0 : i32
      %dma_wait3A_13 = tpu.memref_slice %arg11[%scan3A_7, %dma_wait3A] : memref<79x128xi32, #tpu.memory_space<vmem>> -> memref<1x128xi32, #tpu.memory_space<vmem>>
      %dma_wait3A_14 = tpu.memref_squeeze %dma_wait3A_13 : memref<1x128xi32, #tpu.memory_space<vmem>> -> memref<128xi32, #tpu.memory_space<vmem>>
      %dma_wait3A_15 = arith.constant 0 : i32
      %dma_wait3A_16 = arith.constant 0 : i32
      %dma_wait3A_17 = tpu.memref_slice %arg2[%dma_wait3A_15, %dma_wait3A_16] : memref<10000x16xf32, #tpu.memory_space<hbm>> -> memref<10000x16xf32, #tpu.memory_space<hbm>>
      tpu.wait_indirect_dma semaphore(%arg16 : memref<!tpu.dma_semaphore, #tpu.memory_space<semaphore_mem>>) src(%dma_wait3A_17 : memref<10000x16xf32, #tpu.memory_space<hbm>>) dst(%arg13 : memref<128x16xf32, #tpu.memory_space<vmem>>)
      "tpu.region"() ({
        %run_scoped3A = tpu.sem_alloc : memref<!tpu.dma_semaphore, #tpu.memory_space<semaphore_mem>>
        %dma_start3A_18 = arith.constant 0 : i32
        %dma_start3A_19 = tpu.memref_slice %arg12[%scan3A_7, %dma_start3A_18] : memref<79x128xi32, #tpu.memory_space<vmem>> -> memref<1x128xi32, #tpu.memory_space<vmem>>
        %dma_start3A_20 = tpu.memref_squeeze %dma_start3A_19 : memref<1x128xi32, #tpu.memory_space<vmem>> -> memref<128xi32, #tpu.memory_space<vmem>>
        %dma_start3A_21 = arith.constant 0 : i32
        %dma_start3A_22 = arith.constant 0 : i32
        %dma_start3A_23 = tpu.memref_slice %arg9[%dma_start3A_21, %dma_start3A_22] : memref<10112x16xf32, #tpu.memory_space<vmem_shared>> -> memref<10112x16xf32, #tpu.memory_space<vmem_shared>>
        tpu.enqueue_indirect_dma source(%arg13 : memref<128x16xf32, #tpu.memory_space<vmem>>) target(%dma_start3A_23 : memref<10112x16xf32, #tpu.memory_space<vmem_shared>>) offsets(%dma_start3A_20 : memref<128xi32, #tpu.memory_space<vmem>>) semaphore(%run_scoped3A : memref<!tpu.dma_semaphore, #tpu.memory_space<semaphore_mem>>) {add = true}
        %dma_wait3A_24 = arith.constant 0 : i32
        %dma_wait3A_25 = tpu.memref_slice %arg12[%scan3A_7, %dma_wait3A_24] : memref<79x128xi32, #tpu.memory_space<vmem>> -> memref<1x128xi32, #tpu.memory_space<vmem>>
        %dma_wait3A_26 = tpu.memref_squeeze %dma_wait3A_25 : memref<1x128xi32, #tpu.memory_space<vmem>> -> memref<128xi32, #tpu.memory_space<vmem>>
        %dma_wait3A_27 = arith.constant 0 : i32
        %dma_wait3A_28 = arith.constant 0 : i32
        %dma_wait3A_29 = tpu.memref_slice %arg9[%dma_wait3A_27, %dma_wait3A_28] : memref<10112x16xf32, #tpu.memory_space<vmem_shared>> -> memref<10112x16xf32, #tpu.memory_space<vmem_shared>>
        tpu.wait_indirect_dma semaphore(%run_scoped3A : memref<!tpu.dma_semaphore, #tpu.memory_space<semaphore_mem>>) src(%arg13 : memref<128x16xf32, #tpu.memory_space<vmem>>) dst(%dma_wait3A_29 : memref<10112x16xf32, #tpu.memory_space<vmem_shared>>)
        tpu.yield
      }) : () -> ()
      "tpu.region"() ({
        %run_scoped3A = tpu.sem_alloc : memref<!tpu.dma_semaphore, #tpu.memory_space<semaphore_mem>>
        %dma_start3A_18 = arith.constant 0 : i32
        %dma_start3A_19 = tpu.memref_slice %arg12[%scan3A_7, %dma_start3A_18] : memref<79x128xi32, #tpu.memory_space<vmem>> -> memref<1x128xi32, #tpu.memory_space<vmem>>
        %dma_start3A_20 = tpu.memref_squeeze %dma_start3A_19 : memref<1x128xi32, #tpu.memory_space<vmem>> -> memref<128xi32, #tpu.memory_space<vmem>>
        %dma_start3A_21 = arith.constant 0 : i32
        %dma_start3A_22 = arith.constant 0 : i32
        %dma_start3A_23 = tpu.memref_slice %arg10[%dma_start3A_21, %dma_start3A_22] : memref<10112x16xf32, #tpu.memory_space<vmem_shared>> -> memref<10112x16xf32, #tpu.memory_space<vmem_shared>>
        tpu.enqueue_indirect_dma source(%arg15 : memref<128x16xf32, #tpu.memory_space<vmem>>) target(%dma_start3A_23 : memref<10112x16xf32, #tpu.memory_space<vmem_shared>>) offsets(%dma_start3A_20 : memref<128xi32, #tpu.memory_space<vmem>>) semaphore(%run_scoped3A : memref<!tpu.dma_semaphore, #tpu.memory_space<semaphore_mem>>) {add = true}
        %dma_wait3A_24 = arith.constant 0 : i32
        %dma_wait3A_25 = tpu.memref_slice %arg12[%scan3A_7, %dma_wait3A_24] : memref<79x128xi32, #tpu.memory_space<vmem>> -> memref<1x128xi32, #tpu.memory_space<vmem>>
        %dma_wait3A_26 = tpu.memref_squeeze %dma_wait3A_25 : memref<1x128xi32, #tpu.memory_space<vmem>> -> memref<128xi32, #tpu.memory_space<vmem>>
        %dma_wait3A_27 = arith.constant 0 : i32
        %dma_wait3A_28 = arith.constant 0 : i32
        %dma_wait3A_29 = tpu.memref_slice %arg10[%dma_wait3A_27, %dma_wait3A_28] : memref<10112x16xf32, #tpu.memory_space<vmem_shared>> -> memref<10112x16xf32, #tpu.memory_space<vmem_shared>>
        tpu.wait_indirect_dma semaphore(%run_scoped3A : memref<!tpu.dma_semaphore, #tpu.memory_space<semaphore_mem>>) src(%arg15 : memref<128x16xf32, #tpu.memory_space<vmem>>) dst(%dma_wait3A_29 : memref<10112x16xf32, #tpu.memory_space<vmem_shared>>)
        tpu.yield
      }) : () -> ()
    }
    %scan3A_5 = arith.constant 79 : i32
    %barrier3A_6 = arith.constant 0 : index
    tpu.barrier barrier_id(%barrier3A_6)
    "tpu.region"() ({
      %run_scoped3A = tpu.sem_alloc : memref<!tpu.dma_semaphore, #tpu.memory_space<semaphore_mem>>
      %dma_start3A = arith.constant 0 : i32
      %dma_start3A_7 = tpu.memref_slice %arg7[%arg0, %mul3A_0, %dma_start3A] : memref<2x10112x16xf32, #tpu.memory_space<hbm>> -> memref<1x632x16xf32, #tpu.memory_space<hbm>>
      %dma_start3A_8 = tpu.memref_squeeze %dma_start3A_7 : memref<1x632x16xf32, #tpu.memory_space<hbm>> -> memref<632x16xf32, #tpu.memory_space<hbm>>
      %dma_start3A_9 = arith.constant 0 : i32
      %dma_start3A_10 = tpu.memref_slice %arg9[%mul3A_0, %dma_start3A_9] : memref<10112x16xf32, #tpu.memory_space<vmem_shared>> -> memref<632x16xf32, #tpu.memory_space<vmem_shared>>
      tpu.enqueue_dma source(%dma_start3A_10 : memref<632x16xf32, #tpu.memory_space<vmem_shared>>) target(%dma_start3A_8 : memref<632x16xf32, #tpu.memory_space<hbm>>) target_semaphore(%run_scoped3A : memref<!tpu.dma_semaphore, #tpu.memory_space<semaphore_mem>>)
      %dma_wait3A = arith.constant 0 : i32
      %dma_wait3A_11 = tpu.memref_slice %arg7[%arg0, %mul3A_0, %dma_wait3A] : memref<2x10112x16xf32, #tpu.memory_space<hbm>> -> memref<1x632x16xf32, #tpu.memory_space<hbm>>
      %dma_wait3A_12 = tpu.memref_squeeze %dma_wait3A_11 : memref<1x632x16xf32, #tpu.memory_space<hbm>> -> memref<632x16xf32, #tpu.memory_space<hbm>>
      %dma_wait3A_13 = arith.constant 0 : i32
      %dma_wait3A_14 = tpu.memref_slice %arg9[%mul3A_0, %dma_wait3A_13] : memref<10112x16xf32, #tpu.memory_space<vmem_shared>> -> memref<632x16xf32, #tpu.memory_space<vmem_shared>>
      tpu.wait_dma2 semaphore(%run_scoped3A : memref<!tpu.dma_semaphore, #tpu.memory_space<semaphore_mem>>) src(%dma_wait3A_14 : memref<632x16xf32, #tpu.memory_space<vmem_shared>>) dst(%dma_wait3A_12 : memref<632x16xf32, #tpu.memory_space<hbm>>)
      tpu.yield
    }) : () -> ()
    "tpu.region"() ({
      %run_scoped3A = tpu.sem_alloc : memref<!tpu.dma_semaphore, #tpu.memory_space<semaphore_mem>>
      %dma_start3A = arith.constant 0 : i32
      %dma_start3A_7 = tpu.memref_slice %arg8[%arg0, %mul3A_0, %dma_start3A] : memref<2x10112x16xf32, #tpu.memory_space<hbm>> -> memref<1x632x16xf32, #tpu.memory_space<hbm>>
      %dma_start3A_8 = tpu.memref_squeeze %dma_start3A_7 : memref<1x632x16xf32, #tpu.memory_space<hbm>> -> memref<632x16xf32, #tpu.memory_space<hbm>>
      %dma_start3A_9 = arith.constant 0 : i32
      %dma_start3A_10 = tpu.memref_slice %arg10[%mul3A_0, %dma_start3A_9] : memref<10112x16xf32, #tpu.memory_space<vmem_shared>> -> memref<632x16xf32, #tpu.memory_space<vmem_shared>>
      tpu.enqueue_dma source(%dma_start3A_10 : memref<632x16xf32, #tpu.memory_space<vmem_shared>>) target(%dma_start3A_8 : memref<632x16xf32, #tpu.memory_space<hbm>>) target_semaphore(%run_scoped3A : memref<!tpu.dma_semaphore, #tpu.memory_space<semaphore_mem>>)
      %dma_wait3A = arith.constant 0 : i32
      %dma_wait3A_11 = tpu.memref_slice %arg8[%arg0, %mul3A_0, %dma_wait3A] : memref<2x10112x16xf32, #tpu.memory_space<hbm>> -> memref<1x632x16xf32, #tpu.memory_space<hbm>>
      %dma_wait3A_12 = tpu.memref_squeeze %dma_wait3A_11 : memref<1x632x16xf32, #tpu.memory_space<hbm>> -> memref<632x16xf32, #tpu.memory_space<hbm>>
      %dma_wait3A_13 = arith.constant 0 : i32
      %dma_wait3A_14 = tpu.memref_slice %arg10[%mul3A_0, %dma_wait3A_13] : memref<10112x16xf32, #tpu.memory_space<vmem_shared>> -> memref<632x16xf32, #tpu.memory_space<vmem_shared>>
      tpu.wait_dma2 semaphore(%run_scoped3A : memref<!tpu.dma_semaphore, #tpu.memory_space<semaphore_mem>>) src(%dma_wait3A_14 : memref<632x16xf32, #tpu.memory_space<vmem_shared>>) dst(%dma_wait3A_12 : memref<632x16xf32, #tpu.memory_space<hbm>>)
      tpu.yield
    }) : () -> ()
    return
  }
}

#map = affine_map<(d0, d1) -> (0, 0)>
#map1 = affine_map<(d0, d1) -> (0, 0, 0, 0)>
#map2 = affine_map<(d0, d1) -> (0, 0, 0)>
module attributes {stable_mosaic.version = 14 : i64} {
  func.func @body_nodeg(%arg0: i32, %arg1: i32, %arg2: memref<10000x16xf32, #tpu.memory_space<hbm>>, %arg3: memref<2x16x79x128xi32, #tpu.memory_space<hbm>>, %arg4: memref<2x16x79x128xi32, #tpu.memory_space<hbm>>, %arg5: memref<632x16xf32, #tpu.memory_space<hbm>>, %arg6: memref<2x10112x16xf32, #tpu.memory_space<hbm>>, %arg7: memref<10112x16xf32, #tpu.memory_space<vmem_shared>>, %arg8: memref<79x128xi32, #tpu.memory_space<vmem>>, %arg9: memref<79x128xi32, #tpu.memory_space<vmem>>, %arg10: memref<128x16xf32, #tpu.memory_space<vmem>>, %arg11: memref<632x16xf32, #tpu.memory_space<vmem>>, %arg12: memref<!tpu.dma_semaphore, #tpu.memory_space<semaphore_mem>>) attributes {dimension_semantics = [#tpu.dimension_semantics<core_parallel>, #tpu.dimension_semantics<subcore_parallel>], iteration_bounds = array<i64: 2, 16>, scalar_prefetch = 0 : i64, scratch_operands = 6 : i64, tpu.core_type = #tpu.core_type<sc_vector_subcore>, window_params = [{transform_indices = #map}, {transform_indices = #map1}, {transform_indices = #map1}, {transform_indices = #map}, {transform_indices = #map2}]} {
    "tpu.region"() ({
      %run_scoped3A = tpu.sem_alloc : memref<!tpu.dma_semaphore, #tpu.memory_space<semaphore_mem>>
      %dma_start3A = arith.constant 0 : i32
      %dma_start3A_7 = arith.constant 0 : i32
      %dma_start3A_8 = tpu.memref_slice %arg3[%arg0, %arg1, %dma_start3A, %dma_start3A_7] : memref<2x16x79x128xi32, #tpu.memory_space<hbm>> -> memref<1x1x79x128xi32, #tpu.memory_space<hbm>>
      %dma_start3A_9 = tpu.memref_squeeze %dma_start3A_8 : memref<1x1x79x128xi32, #tpu.memory_space<hbm>> -> memref<79x128xi32, #tpu.memory_space<hbm>>
      %dma_start3A_10 = arith.constant 0 : i32
      %dma_start3A_11 = arith.constant 0 : i32
      %dma_start3A_12 = tpu.memref_slice %arg3[%arg0, %arg1, %dma_start3A_10, %dma_start3A_11] : memref<2x16x79x128xi32, #tpu.memory_space<hbm>> -> memref<1x1x79x128xi32, #tpu.memory_space<hbm>>
      %dma_start3A_13 = tpu.memref_squeeze %dma_start3A_12 : memref<1x1x79x128xi32, #tpu.memory_space<hbm>> -> memref<79x128xi32, #tpu.memory_space<hbm>>
      tpu.enqueue_dma source(%dma_start3A_13 : memref<79x128xi32, #tpu.memory_space<hbm>>) target(%arg8 : memref<79x128xi32, #tpu.memory_space<vmem>>) target_semaphore(%run_scoped3A : memref<!tpu.dma_semaphore, #tpu.memory_space<semaphore_mem>>)
      %dma_wait3A = arith.constant 0 : i32
      %dma_wait3A_14 = arith.constant 0 : i32
      %dma_wait3A_15 = tpu.memref_slice %arg3[%arg0, %arg1, %dma_wait3A, %dma_wait3A_14] : memref<2x16x79x128xi32, #tpu.memory_space<hbm>> -> memref<1x1x79x128xi32, #tpu.memory_space<hbm>>
      %dma_wait3A_16 = tpu.memref_squeeze %dma_wait3A_15 : memref<1x1x79x128xi32, #tpu.memory_space<hbm>> -> memref<79x128xi32, #tpu.memory_space<hbm>>
      %dma_wait3A_17 = arith.constant 0 : i32
      %dma_wait3A_18 = arith.constant 0 : i32
      %dma_wait3A_19 = tpu.memref_slice %arg3[%arg0, %arg1, %dma_wait3A_17, %dma_wait3A_18] : memref<2x16x79x128xi32, #tpu.memory_space<hbm>> -> memref<1x1x79x128xi32, #tpu.memory_space<hbm>>
      %dma_wait3A_20 = tpu.memref_squeeze %dma_wait3A_19 : memref<1x1x79x128xi32, #tpu.memory_space<hbm>> -> memref<79x128xi32, #tpu.memory_space<hbm>>
      tpu.wait_dma2 semaphore(%run_scoped3A : memref<!tpu.dma_semaphore, #tpu.memory_space<semaphore_mem>>) src(%dma_wait3A_20 : memref<79x128xi32, #tpu.memory_space<hbm>>) dst(%arg8 : memref<79x128xi32, #tpu.memory_space<vmem>>)
      tpu.yield
    }) : () -> ()
    "tpu.region"() ({
      %run_scoped3A = tpu.sem_alloc : memref<!tpu.dma_semaphore, #tpu.memory_space<semaphore_mem>>
      %dma_start3A = arith.constant 0 : i32
      %dma_start3A_7 = arith.constant 0 : i32
      %dma_start3A_8 = tpu.memref_slice %arg4[%arg0, %arg1, %dma_start3A, %dma_start3A_7] : memref<2x16x79x128xi32, #tpu.memory_space<hbm>> -> memref<1x1x79x128xi32, #tpu.memory_space<hbm>>
      %dma_start3A_9 = tpu.memref_squeeze %dma_start3A_8 : memref<1x1x79x128xi32, #tpu.memory_space<hbm>> -> memref<79x128xi32, #tpu.memory_space<hbm>>
      %dma_start3A_10 = arith.constant 0 : i32
      %dma_start3A_11 = arith.constant 0 : i32
      %dma_start3A_12 = tpu.memref_slice %arg4[%arg0, %arg1, %dma_start3A_10, %dma_start3A_11] : memref<2x16x79x128xi32, #tpu.memory_space<hbm>> -> memref<1x1x79x128xi32, #tpu.memory_space<hbm>>
      %dma_start3A_13 = tpu.memref_squeeze %dma_start3A_12 : memref<1x1x79x128xi32, #tpu.memory_space<hbm>> -> memref<79x128xi32, #tpu.memory_space<hbm>>
      tpu.enqueue_dma source(%dma_start3A_13 : memref<79x128xi32, #tpu.memory_space<hbm>>) target(%arg9 : memref<79x128xi32, #tpu.memory_space<vmem>>) target_semaphore(%run_scoped3A : memref<!tpu.dma_semaphore, #tpu.memory_space<semaphore_mem>>)
      %dma_wait3A = arith.constant 0 : i32
      %dma_wait3A_14 = arith.constant 0 : i32
      %dma_wait3A_15 = tpu.memref_slice %arg4[%arg0, %arg1, %dma_wait3A, %dma_wait3A_14] : memref<2x16x79x128xi32, #tpu.memory_space<hbm>> -> memref<1x1x79x128xi32, #tpu.memory_space<hbm>>
      %dma_wait3A_16 = tpu.memref_squeeze %dma_wait3A_15 : memref<1x1x79x128xi32, #tpu.memory_space<hbm>> -> memref<79x128xi32, #tpu.memory_space<hbm>>
      %dma_wait3A_17 = arith.constant 0 : i32
      %dma_wait3A_18 = arith.constant 0 : i32
      %dma_wait3A_19 = tpu.memref_slice %arg4[%arg0, %arg1, %dma_wait3A_17, %dma_wait3A_18] : memref<2x16x79x128xi32, #tpu.memory_space<hbm>> -> memref<1x1x79x128xi32, #tpu.memory_space<hbm>>
      %dma_wait3A_20 = tpu.memref_squeeze %dma_wait3A_19 : memref<1x1x79x128xi32, #tpu.memory_space<hbm>> -> memref<79x128xi32, #tpu.memory_space<hbm>>
      tpu.wait_dma2 semaphore(%run_scoped3A : memref<!tpu.dma_semaphore, #tpu.memory_space<semaphore_mem>>) src(%dma_wait3A_20 : memref<79x128xi32, #tpu.memory_space<hbm>>) dst(%arg9 : memref<79x128xi32, #tpu.memory_space<vmem>>)
      tpu.yield
    }) : () -> ()
    "tpu.region"() ({
      %run_scoped3A = tpu.sem_alloc : memref<!tpu.dma_semaphore, #tpu.memory_space<semaphore_mem>>
      tpu.enqueue_dma source(%arg5 : memref<632x16xf32, #tpu.memory_space<hbm>>) target(%arg11 : memref<632x16xf32, #tpu.memory_space<vmem>>) target_semaphore(%run_scoped3A : memref<!tpu.dma_semaphore, #tpu.memory_space<semaphore_mem>>)
      tpu.wait_dma2 semaphore(%run_scoped3A : memref<!tpu.dma_semaphore, #tpu.memory_space<semaphore_mem>>) src(%arg5 : memref<632x16xf32, #tpu.memory_space<hbm>>) dst(%arg11 : memref<632x16xf32, #tpu.memory_space<vmem>>)
      tpu.yield
    }) : () -> ()
    %mul3A = arith.constant 632 : i32
    %mul3A_0 = arith.muli %arg1, %mul3A : i32
    "tpu.region"() ({
      %run_scoped3A = tpu.sem_alloc : memref<!tpu.dma_semaphore, #tpu.memory_space<semaphore_mem>>
      %dma_start3A = arith.constant 0 : i32
      %dma_start3A_7 = tpu.memref_slice %arg7[%mul3A_0, %dma_start3A] : memref<10112x16xf32, #tpu.memory_space<vmem_shared>> -> memref<632x16xf32, #tpu.memory_space<vmem_shared>>
      %dma_start3A_8 = arith.constant 0 : i32
      %dma_start3A_9 = tpu.memref_slice %arg7[%mul3A_0, %dma_start3A_8] : memref<10112x16xf32, #tpu.memory_space<vmem_shared>> -> memref<632x16xf32, #tpu.memory_space<vmem_shared>>
      tpu.enqueue_dma source(%arg11 : memref<632x16xf32, #tpu.memory_space<vmem>>) target(%dma_start3A_9 : memref<632x16xf32, #tpu.memory_space<vmem_shared>>) target_semaphore(%run_scoped3A : memref<!tpu.dma_semaphore, #tpu.memory_space<semaphore_mem>>)
      %dma_wait3A = arith.constant 0 : i32
      %dma_wait3A_10 = tpu.memref_slice %arg7[%mul3A_0, %dma_wait3A] : memref<10112x16xf32, #tpu.memory_space<vmem_shared>> -> memref<632x16xf32, #tpu.memory_space<vmem_shared>>
      %dma_wait3A_11 = arith.constant 0 : i32
      %dma_wait3A_12 = tpu.memref_slice %arg7[%mul3A_0, %dma_wait3A_11] : memref<10112x16xf32, #tpu.memory_space<vmem_shared>> -> memref<632x16xf32, #tpu.memory_space<vmem_shared>>
      tpu.wait_dma2 semaphore(%run_scoped3A : memref<!tpu.dma_semaphore, #tpu.memory_space<semaphore_mem>>) src(%arg11 : memref<632x16xf32, #tpu.memory_space<vmem>>) dst(%dma_wait3A_12 : memref<632x16xf32, #tpu.memory_space<vmem_shared>>)
      tpu.yield
    }) : () -> ()
    %barrier3A = arith.constant 0 : index
    tpu.barrier barrier_id(%barrier3A)
    %scan3A = arith.constant 0 : i32
    %scan3A_1 = arith.constant 0 : i32
    %scan3A_2 = arith.constant 79 : i32
    %scan3A_3 = arith.addi %scan3A_1, %scan3A_2 : i32
    %scan3A_4 = arith.constant 1 : i32
    scf.for %scan3A_7 = %scan3A_1 to %scan3A_3 step %scan3A_4  : i32 {
      %dma_start3A = arith.constant 0 : i32
      %dma_start3A_8 = tpu.memref_slice %arg8[%scan3A_7, %dma_start3A] : memref<79x128xi32, #tpu.memory_space<vmem>> -> memref<1x128xi32, #tpu.memory_space<vmem>>
      %dma_start3A_9 = tpu.memref_squeeze %dma_start3A_8 : memref<1x128xi32, #tpu.memory_space<vmem>> -> memref<128xi32, #tpu.memory_space<vmem>>
      %dma_start3A_10 = arith.constant 0 : i32
      %dma_start3A_11 = arith.constant 0 : i32
      %dma_start3A_12 = tpu.memref_slice %arg2[%dma_start3A_10, %dma_start3A_11] : memref<10000x16xf32, #tpu.memory_space<hbm>> -> memref<10000x16xf32, #tpu.memory_space<hbm>>
      tpu.enqueue_indirect_dma source(%dma_start3A_12 : memref<10000x16xf32, #tpu.memory_space<hbm>>) target(%arg10 : memref<128x16xf32, #tpu.memory_space<vmem>>) offsets(%dma_start3A_9 : memref<128xi32, #tpu.memory_space<vmem>>) semaphore(%arg12 : memref<!tpu.dma_semaphore, #tpu.memory_space<semaphore_mem>>)
      %dma_wait3A = arith.constant 0 : i32
      %dma_wait3A_13 = tpu.memref_slice %arg8[%scan3A_7, %dma_wait3A] : memref<79x128xi32, #tpu.memory_space<vmem>> -> memref<1x128xi32, #tpu.memory_space<vmem>>
      %dma_wait3A_14 = tpu.memref_squeeze %dma_wait3A_13 : memref<1x128xi32, #tpu.memory_space<vmem>> -> memref<128xi32, #tpu.memory_space<vmem>>
      %dma_wait3A_15 = arith.constant 0 : i32
      %dma_wait3A_16 = arith.constant 0 : i32
      %dma_wait3A_17 = tpu.memref_slice %arg2[%dma_wait3A_15, %dma_wait3A_16] : memref<10000x16xf32, #tpu.memory_space<hbm>> -> memref<10000x16xf32, #tpu.memory_space<hbm>>
      tpu.wait_indirect_dma semaphore(%arg12 : memref<!tpu.dma_semaphore, #tpu.memory_space<semaphore_mem>>) src(%dma_wait3A_17 : memref<10000x16xf32, #tpu.memory_space<hbm>>) dst(%arg10 : memref<128x16xf32, #tpu.memory_space<vmem>>)
      "tpu.region"() ({
        %run_scoped3A = tpu.sem_alloc : memref<!tpu.dma_semaphore, #tpu.memory_space<semaphore_mem>>
        %dma_start3A_18 = arith.constant 0 : i32
        %dma_start3A_19 = tpu.memref_slice %arg9[%scan3A_7, %dma_start3A_18] : memref<79x128xi32, #tpu.memory_space<vmem>> -> memref<1x128xi32, #tpu.memory_space<vmem>>
        %dma_start3A_20 = tpu.memref_squeeze %dma_start3A_19 : memref<1x128xi32, #tpu.memory_space<vmem>> -> memref<128xi32, #tpu.memory_space<vmem>>
        %dma_start3A_21 = arith.constant 0 : i32
        %dma_start3A_22 = arith.constant 0 : i32
        %dma_start3A_23 = tpu.memref_slice %arg7[%dma_start3A_21, %dma_start3A_22] : memref<10112x16xf32, #tpu.memory_space<vmem_shared>> -> memref<10112x16xf32, #tpu.memory_space<vmem_shared>>
        tpu.enqueue_indirect_dma source(%arg10 : memref<128x16xf32, #tpu.memory_space<vmem>>) target(%dma_start3A_23 : memref<10112x16xf32, #tpu.memory_space<vmem_shared>>) offsets(%dma_start3A_20 : memref<128xi32, #tpu.memory_space<vmem>>) semaphore(%run_scoped3A : memref<!tpu.dma_semaphore, #tpu.memory_space<semaphore_mem>>) {add = true}
        %dma_wait3A_24 = arith.constant 0 : i32
        %dma_wait3A_25 = tpu.memref_slice %arg9[%scan3A_7, %dma_wait3A_24] : memref<79x128xi32, #tpu.memory_space<vmem>> -> memref<1x128xi32, #tpu.memory_space<vmem>>
        %dma_wait3A_26 = tpu.memref_squeeze %dma_wait3A_25 : memref<1x128xi32, #tpu.memory_space<vmem>> -> memref<128xi32, #tpu.memory_space<vmem>>
        %dma_wait3A_27 = arith.constant 0 : i32
        %dma_wait3A_28 = arith.constant 0 : i32
        %dma_wait3A_29 = tpu.memref_slice %arg7[%dma_wait3A_27, %dma_wait3A_28] : memref<10112x16xf32, #tpu.memory_space<vmem_shared>> -> memref<10112x16xf32, #tpu.memory_space<vmem_shared>>
        tpu.wait_indirect_dma semaphore(%run_scoped3A : memref<!tpu.dma_semaphore, #tpu.memory_space<semaphore_mem>>) src(%arg10 : memref<128x16xf32, #tpu.memory_space<vmem>>) dst(%dma_wait3A_29 : memref<10112x16xf32, #tpu.memory_space<vmem_shared>>)
        tpu.yield
      }) : () -> ()
    }
    %scan3A_5 = arith.constant 79 : i32
    %barrier3A_6 = arith.constant 0 : index
    tpu.barrier barrier_id(%barrier3A_6)
    "tpu.region"() ({
      %run_scoped3A = tpu.sem_alloc : memref<!tpu.dma_semaphore, #tpu.memory_space<semaphore_mem>>
      %dma_start3A = arith.constant 0 : i32
      %dma_start3A_7 = tpu.memref_slice %arg6[%arg0, %mul3A_0, %dma_start3A] : memref<2x10112x16xf32, #tpu.memory_space<hbm>> -> memref<1x632x16xf32, #tpu.memory_space<hbm>>
      %dma_start3A_8 = tpu.memref_squeeze %dma_start3A_7 : memref<1x632x16xf32, #tpu.memory_space<hbm>> -> memref<632x16xf32, #tpu.memory_space<hbm>>
      %dma_start3A_9 = arith.constant 0 : i32
      %dma_start3A_10 = tpu.memref_slice %arg7[%mul3A_0, %dma_start3A_9] : memref<10112x16xf32, #tpu.memory_space<vmem_shared>> -> memref<632x16xf32, #tpu.memory_space<vmem_shared>>
      tpu.enqueue_dma source(%dma_start3A_10 : memref<632x16xf32, #tpu.memory_space<vmem_shared>>) target(%dma_start3A_8 : memref<632x16xf32, #tpu.memory_space<hbm>>) target_semaphore(%run_scoped3A : memref<!tpu.dma_semaphore, #tpu.memory_space<semaphore_mem>>)
      %dma_wait3A = arith.constant 0 : i32
      %dma_wait3A_11 = tpu.memref_slice %arg6[%arg0, %mul3A_0, %dma_wait3A] : memref<2x10112x16xf32, #tpu.memory_space<hbm>> -> memref<1x632x16xf32, #tpu.memory_space<hbm>>
      %dma_wait3A_12 = tpu.memref_squeeze %dma_wait3A_11 : memref<1x632x16xf32, #tpu.memory_space<hbm>> -> memref<632x16xf32, #tpu.memory_space<hbm>>
      %dma_wait3A_13 = arith.constant 0 : i32
      %dma_wait3A_14 = tpu.memref_slice %arg7[%mul3A_0, %dma_wait3A_13] : memref<10112x16xf32, #tpu.memory_space<vmem_shared>> -> memref<632x16xf32, #tpu.memory_space<vmem_shared>>
      tpu.wait_dma2 semaphore(%run_scoped3A : memref<!tpu.dma_semaphore, #tpu.memory_space<semaphore_mem>>) src(%dma_wait3A_14 : memref<632x16xf32, #tpu.memory_space<vmem_shared>>) dst(%dma_wait3A_12 : memref<632x16xf32, #tpu.memory_space<hbm>>)
      tpu.yield
    }) : () -> ()
    return
  }
}

module attributes {stable_mosaic.version = 14 : i64} {
  func.func @_proj_body(%arg0: memref<10000x128xf32, #tpu.memory_space<vmem>>, %arg1: memref<128x16xf32, #tpu.memory_space<vmem>>, %arg2: memref<10000x16xf32, #tpu.memory_space<vmem>>) attributes {dimension_semantics = [], scalar_prefetch = 0 : i64, scratch_operands = 0 : i64, tpu.core_type = #tpu.core_type<tc>} {
    %get3A = arith.constant 0 : index
    %get3A_0 = arith.constant 0 : index
    %get3A_1 = vector.load %arg0[%get3A, %get3A_0] : memref<10000x128xf32, #tpu.memory_space<vmem>>, vector<10000x128xf32>
    %get3A_2 = arith.constant 0 : index
    %get3A_3 = arith.constant 0 : index
    %get3A_4 = vector.load %arg1[%get3A_2, %get3A_3] : memref<128x16xf32, #tpu.memory_space<vmem>>, vector<128x16xf32>
    %dot_general3A = arith.constant dense<0.000000e+00> : vector<10000x16xf32>
    %dot_general3A_5 = tpu.matmul %get3A_1, %get3A_4, %dot_general3A {dimension_numbers = #tpu.dot_dimension_numbers<[1], [0], [0], [1], [0, 0, 1, 1], [], []>, transpose_lhs_hint = false} : vector<10000x128xf32>, vector<128x16xf32>, vector<10000x16xf32> -> vector<10000x16xf32>
    %swap3A = arith.constant 0 : index
    %swap3A_6 = arith.constant 0 : index
    %swap3A_7 = vector.load %arg2[%swap3A, %swap3A_6] : memref<10000x16xf32, #tpu.memory_space<vmem>>, vector<10000x16xf32>
    tpu.vector_store %arg2[%swap3A, %swap3A_6], %dot_general3A_5 {strides = array<i32>} : memref<10000x16xf32, #tpu.memory_space<vmem>>, vector<10000x16xf32>,
    return
  }
}

module attributes {stable_mosaic.version = 14 : i64} {
  func.func @_mid_body(%arg0: memref<2x10000x16xf32, #tpu.memory_space<vmem>>, %arg1: memref<2x10000x16xf32, #tpu.memory_space<vmem>>, %arg2: memref<16x16xf32, #tpu.memory_space<vmem>>, %arg3: memref<10000x16xf32, #tpu.memory_space<vmem>>, %arg4: memref<10000x16xf32, #tpu.memory_space<vmem>>) attributes {dimension_semantics = [], scalar_prefetch = 0 : i64, scratch_operands = 0 : i64, tpu.core_type = #tpu.core_type<tc>} {
    %get3A = arith.constant 0 : index
    %get3A_0 = arith.constant 0 : index
    %get3A_1 = arith.constant 0 : index
    %get3A_2 = vector.load %arg0[%get3A, %get3A_0, %get3A_1] : memref<2x10000x16xf32, #tpu.memory_space<vmem>>, vector<1x10000x16xf32>
    %get3A_3 = vector.shape_cast %get3A_2 : vector<1x10000x16xf32> to vector<10000x16xf32>
    %get3A_4 = arith.constant 1 : index
    %get3A_5 = arith.constant 0 : index
    %get3A_6 = arith.constant 0 : index
    %get3A_7 = vector.load %arg0[%get3A_4, %get3A_5, %get3A_6] : memref<2x10000x16xf32, #tpu.memory_space<vmem>>, vector<1x10000x16xf32>
    %get3A_8 = vector.shape_cast %get3A_7 : vector<1x10000x16xf32> to vector<10000x16xf32>
    %add3A = arith.addf %get3A_3, %get3A_8 : vector<10000x16xf32>
    %get3A_9 = arith.constant 0 : index
    %get3A_10 = arith.constant 0 : index
    %get3A_11 = arith.constant 0 : index
    %get3A_12 = vector.load %arg1[%get3A_9, %get3A_10, %get3A_11] : memref<2x10000x16xf32, #tpu.memory_space<vmem>>, vector<1x10000x16xf32>
    %get3A_13 = vector.shape_cast %get3A_12 : vector<1x10000x16xf32> to vector<10000x16xf32>
    %get3A_14 = arith.constant 1 : index
    %get3A_15 = arith.constant 0 : index
    %get3A_16 = arith.constant 0 : index
    %get3A_17 = vector.load %arg1[%get3A_14, %get3A_15, %get3A_16] : memref<2x10000x16xf32, #tpu.memory_space<vmem>>, vector<1x10000x16xf32>
    %get3A_18 = vector.shape_cast %get3A_17 : vector<1x10000x16xf32> to vector<10000x16xf32>
    %add3A_19 = arith.addf %get3A_13, %get3A_18 : vector<10000x16xf32>
    %max3A = arith.constant 1.000000e+00 : f32
    %max3A_20 = vector.broadcast %max3A : f32 to vector<10000x16xf32>
    %max3A_21 = arith.maximumf %add3A_19, %max3A_20 : vector<10000x16xf32>
    %div3A = arith.divf %add3A, %max3A_21 : vector<10000x16xf32>
    %tanh3A = math.tanh %div3A : vector<10000x16xf32>
    %tanh3A_22 = math.tanh %tanh3A : vector<10000x16xf32>
    %ge3A = arith.constant 0.000000e+00 : f32
    %ge3A_23 = vector.broadcast %ge3A : f32 to vector<10000x16xf32>
    %ge3A_24 = arith.cmpf oge, %tanh3A_22, %ge3A_23 : vector<10000x16xf32>
    %mul3A = arith.constant 2.000000e-01 : f32
    %mul3A_25 = vector.broadcast %mul3A : f32 to vector<10000x16xf32>
    %mul3A_26 = arith.mulf %mul3A_25, %tanh3A_22 : vector<10000x16xf32>
    %select_n3A = arith.select %ge3A_24, %tanh3A_22, %mul3A_26 : vector<10000x16xi1>, vector<10000x16xf32>
    %get3A_27 = arith.constant 0 : index
    %get3A_28 = arith.constant 0 : index
    %get3A_29 = vector.load %arg2[%get3A_27, %get3A_28] : memref<16x16xf32, #tpu.memory_space<vmem>>, vector<16x16xf32>
    %dot_general3A = arith.constant dense<0.000000e+00> : vector<10000x16xf32>
    %dot_general3A_30 = tpu.matmul %select_n3A, %get3A_29, %dot_general3A {dimension_numbers = #tpu.dot_dimension_numbers<[1], [0], [0], [1], [0, 0, 1, 1], [], []>, transpose_lhs_hint = false} : vector<10000x16xf32>, vector<16x16xf32>, vector<10000x16xf32> -> vector<10000x16xf32>
    %swap3A = arith.constant 0 : index
    %swap3A_31 = arith.constant 0 : index
    %swap3A_32 = vector.load %arg3[%swap3A, %swap3A_31] : memref<10000x16xf32, #tpu.memory_space<vmem>>, vector<10000x16xf32>
    tpu.vector_store %arg3[%swap3A, %swap3A_31], %dot_general3A_30 {strides = array<i32>} : memref<10000x16xf32, #tpu.memory_space<vmem>>, vector<10000x16xf32>,
    %swap3A_33 = arith.constant 0 : index
    %swap3A_34 = arith.constant 0 : index
    %swap3A_35 = vector.load %arg4[%swap3A_33, %swap3A_34] : memref<10000x16xf32, #tpu.memory_space<vmem>>, vector<10000x16xf32>
    tpu.vector_store %arg4[%swap3A_33, %swap3A_34], %max3A_21 {strides = array<i32>} : memref<10000x16xf32, #tpu.memory_space<vmem>>, vector<10000x16xf32>,
    return
  }
}

module attributes {stable_mosaic.version = 14 : i64} {
  func.func @_final_body(%arg0: memref<2x10000x16xf32, #tpu.memory_space<vmem>>, %arg1: memref<10000x16xf32, #tpu.memory_space<vmem>>, %arg2: memref<1x10000xi32, #tpu.memory_space<vmem>>, %arg3: memref<16x10xf32, #tpu.memory_space<vmem>>, %arg4: memref<1x10xf32, #tpu.memory_space<vmem>>, %arg5: memref<64x10xf32, #tpu.memory_space<vmem>>) attributes {dimension_semantics = [], scalar_prefetch = 0 : i64, scratch_operands = 0 : i64, tpu.core_type = #tpu.core_type<tc>} {
    %get3A = arith.constant 0 : index
    %get3A_0 = arith.constant 0 : index
    %get3A_1 = arith.constant 0 : index
    %get3A_2 = vector.load %arg0[%get3A, %get3A_0, %get3A_1] : memref<2x10000x16xf32, #tpu.memory_space<vmem>>, vector<1x10000x16xf32>
    %get3A_3 = vector.shape_cast %get3A_2 : vector<1x10000x16xf32> to vector<10000x16xf32>
    %get3A_4 = arith.constant 1 : index
    %get3A_5 = arith.constant 0 : index
    %get3A_6 = arith.constant 0 : index
    %get3A_7 = vector.load %arg0[%get3A_4, %get3A_5, %get3A_6] : memref<2x10000x16xf32, #tpu.memory_space<vmem>>, vector<1x10000x16xf32>
    %get3A_8 = vector.shape_cast %get3A_7 : vector<1x10000x16xf32> to vector<10000x16xf32>
    %add3A = arith.addf %get3A_3, %get3A_8 : vector<10000x16xf32>
    %get3A_9 = arith.constant 0 : index
    %get3A_10 = arith.constant 0 : index
    %get3A_11 = vector.load %arg1[%get3A_9, %get3A_10] : memref<10000x16xf32, #tpu.memory_space<vmem>>, vector<10000x16xf32>
    %div3A = arith.divf %add3A, %get3A_11 : vector<10000x16xf32>
    %tanh3A = math.tanh %div3A : vector<10000x16xf32>
    %tanh3A_12 = math.tanh %tanh3A : vector<10000x16xf32>
    %ge3A = arith.constant 0.000000e+00 : f32
    %ge3A_13 = vector.broadcast %ge3A : f32 to vector<10000x16xf32>
    %ge3A_14 = arith.cmpf oge, %tanh3A_12, %ge3A_13 : vector<10000x16xf32>
    %mul3A = arith.constant 2.000000e-01 : f32
    %mul3A_15 = vector.broadcast %mul3A : f32 to vector<10000x16xf32>
    %mul3A_16 = arith.mulf %mul3A_15, %tanh3A_12 : vector<10000x16xf32>
    %select_n3A = arith.select %ge3A_14, %tanh3A_12, %mul3A_16 : vector<10000x16xi1>, vector<10000x16xf32>
    %iota3A = tpu.iota {dimensions = array<i32: 0>} : vector<64x10000xi32>
    %get3A_17 = arith.constant 0 : index
    %get3A_18 = arith.constant 0 : index
    %get3A_19 = vector.load %arg2[%get3A_17, %get3A_18] : memref<1x10000xi32, #tpu.memory_space<vmem>>, vector<1x10000xi32>
    %eq3A = vector.broadcast %get3A_19 : vector<1x10000xi32> to vector<64x10000xi32>
    %eq3A_20 = arith.cmpi eq, %iota3A, %eq3A : vector<64x10000xi32>
    %convert_element_type3A = arith.extui %eq3A_20 : vector<64x10000xi1> to vector<64x10000xi32>
    %convert_element_type3A_21 = arith.sitofp %convert_element_type3A : vector<64x10000xi32> to vector<64x10000xf32>
    %dot_general3A = arith.constant dense<0.000000e+00> : vector<64x16xf32>
    %dot_general3A_22 = tpu.matmul %convert_element_type3A_21, %select_n3A, %dot_general3A {dimension_numbers = #tpu.dot_dimension_numbers<[1], [0], [0], [1], [0, 0, 1, 1], [], []>, transpose_lhs_hint = false} : vector<64x10000xf32>, vector<10000x16xf32>, vector<64x16xf32> -> vector<64x16xf32>
    %reduce_sum3A = arith.constant dense<0.000000e+00> : vector<64xf32>
    %reduce_sum3A_23 = vector.multi_reduction <add>, %convert_element_type3A_21, %reduce_sum3A [1] : vector<64x10000xf32> to vector<64xf32>
    %broadcast_in_dim3A = vector.shape_cast %reduce_sum3A_23 : vector<64xf32> to vector<64x1xf32>
    %max3A = arith.constant 1.000000e+00 : f32
    %max3A_24 = vector.broadcast %max3A : f32 to vector<64x1xf32>
    %max3A_25 = arith.maximumf %broadcast_in_dim3A, %max3A_24 : vector<64x1xf32>
    %div3A_26 = vector.broadcast %max3A_25 : vector<64x1xf32> to vector<64x16xf32>
    %div3A_27 = arith.divf %dot_general3A_22, %div3A_26 : vector<64x16xf32>
    %get3A_28 = arith.constant 0 : index
    %get3A_29 = arith.constant 0 : index
    %get3A_30 = vector.load %arg3[%get3A_28, %get3A_29] : memref<16x10xf32, #tpu.memory_space<vmem>>, vector<16x10xf32>
    %dot_general3A_31 = arith.constant dense<0.000000e+00> : vector<64x10xf32>
    %dot_general3A_32 = tpu.matmul %div3A_27, %get3A_30, %dot_general3A_31 {dimension_numbers = #tpu.dot_dimension_numbers<[1], [0], [0], [1], [0, 0, 1, 1], [], []>, transpose_lhs_hint = false} : vector<64x16xf32>, vector<16x10xf32>, vector<64x10xf32> -> vector<64x10xf32>
    %get3A_33 = arith.constant 0 : index
    %get3A_34 = arith.constant 0 : index
    %get3A_35 = vector.load %arg4[%get3A_33, %get3A_34] : memref<1x10xf32, #tpu.memory_space<vmem>>, vector<1x10xf32>
    %add3A_36 = vector.broadcast %get3A_35 : vector<1x10xf32> to vector<64x10xf32>
    %add3A_37 = arith.addf %dot_general3A_32, %add3A_36 : vector<64x10xf32>
    %swap3A = arith.constant 0 : index
    %swap3A_38 = arith.constant 0 : index
    %swap3A_39 = vector.load %arg5[%swap3A, %swap3A_38] : memref<64x10xf32, #tpu.memory_space<vmem>>, vector<64x10xf32>
    tpu.vector_store %arg5[%swap3A, %swap3A_38], %add3A_37 {strides = array<i32>} : memref<64x10xf32, #tpu.memory_space<vmem>>, vector<64x10xf32>,
    return
  }
}

</mosaic_0001>

<sc_bundles>
// kernel: kernel.10.cloned.1.call-start
scs
__scs_entry_jumppad:
0x0: {  	(pc) =	sbr.rel $0x88, $3  }
0x1: {  	(tag) =	ssettag $0x0;
	lr =	simm.s32 $0x1  }
0x2: {  	[smem:$0x3F9A] =	sst lr;
	_ =	strace $0xD0000000  }
0x3: {  	_ = 	snop  }
0x4: {  	_ = 	snop  }
0x5: {  	_ = 	snop  }
0x6: {  	_ = 	snop  }
0x7: {  	_ = 	snop  }
__scs_overlays_trampoline_lowered:
0x8: {  	[smem:$0x3FA9] =	sst s0  }
0x9: {  	[smem:$0x3FAA] =	sst s1  }
0xa: {  	[smem:$0x3FAB] =	sst s2  }
0xb: {  	[smem:$0x3FAC] =	sst s3  }
0xc: {  	[smem:$0x3FAD] =	sst s4  }
0xd: {  	[smem:$0x3FAE] =	sst s5  }
0xe: {  	[smem:$0x3FAF] =	sst s6  }
0xf: {  	[smem:$0x3FB0] =	sst s7  }
0x10: {  	[smem:$0x3FB1] =	sst s8  }
0x11: {  	[smem:$0x3FB2] =	sst s9;
	s0 =	simm.s32 @!p0 $0x0  }
0x12: {  	s1 =	sld [smem:$0x3F98];
	s0 =	simm.s32 @p0 $0x1  }
0x13: {  	[smem:$0x3FB3] =	sst s0;
	s0 =	simm.s32 @!p1 $0x0  }
0x14: {  	s2 =	sld [smem:$0x3F97];
	s0 =	simm.s32 @p1 $0x1  }
0x15: {  	[smem:$0x3FB4] =	sst s0;
	s0 =	simm.s32 @!p2 $0x0  }
0x16: {  	s3 =	sld [smem:$0x3FDB];
	s0 =	simm.s32 @p2 $0x1  }
0x17: {  	s4 =	simm.s32 $0x1BF5;
	[smem:$0x3FB6] =	sst s0  }
0x18: {  	s0 =	sld [smem:$0x3F99];
	_ =	swait.ge [sflag:s4], $0x0  }
0x19: {  	s7 =	sld [smem:$0x3F9A]  }
0x1a: {  	s8 =	sadd.s32 $0xFFFFE003, lr  }
0x1b: {  	s9 =	sadd.s32 $0xFFFFFEF7, lr;
	s5 =	simm.s32 $0xFFFFFFFF;
	p2 =	slt.u32 s8, $0xFFFFF086  }
0x1c: {  	p1 =	slt.u32 s9, $0xF7A;
	s5 =	simm.s32 @!p2 $0x0  }
0x1d: {  	s5 =	simm.s32 @p1 $0x1;
	p0 =	seq.s32 s7, s2  }
0x1e: {  	s7 =	smul.u32 @!p0 $0xF7A, s2;
	p2 =	seq.s32 @!p0 s5, $0x0  }
0x1f: {  	s9 =	smul.u32 $0xF7A, s1;
	s8 =	simm.s32 @!p0 $0x1BF5;
	p2 =	por !p2, p0  }
0x20: {  	[sflag:s8] =	ssyncset.s32 @!p0 $0xFFFFF086;
	s6 =	sadd.s32 @!p0 s3, s7;
	s7 =	simm.s32 @!p0 $0x108  }
0x21: {  	s3 =	sadd.s32 s3, s9;
	s6 =	sadd.s32 @!p0 $0x88, s6;
	s7 =	simm.s32 @p2 $0x1082  }
0x22: {  	[simem:s7], [sflag:s8] =	dma.local @!p0 [hbm:s6], $0xF7A  }
0x23: {  	s9 =	sor.u32 $0xD0000000, s2;
	s6 =	simm.s32 $0x108;
	_ =	swait.ge @!p0 [sflag:s8], $0x0  }
0x24: {  	s3 =	sadd.s32 $0x88, s3;
	s6 =	simm.s32 @!p1 $0x1082;
	[sflag:s4] =	ssyncset.s32 $0xFFFFF086  }
0x25: {  	[simem:s6], [sflag:s4] =	dma.local [hbm:s3], $0xF7A  }
0x26: {  	[smem:$0x3F9A] =	sst s1;
	(tag) =	ssettag s2;
	_ =	strace s9  }
0x27: {  	s1 =	sld [smem:$0x3FAA]  }
0x28: {  	s2 =	sld [smem:$0x3FAB]  }
0x29: {  	s4 =	sld [smem:$0x3FAD]  }
0x2a: {  	p0 =	seq.s32 s5, $0x0;
	s5 =	sld [smem:$0x3FAE]  }
0x2b: {  	s6 =	sld [smem:$0x3FAF]  }
0x2c: {  	s7 =	sld [smem:$0x3FB0]  }
0x2d: {  	s3 =	simm.s32 $0x108;
	s8 =	sld [smem:$0x3FB1]  }
0x2e: {  	s3 =	simm.s32 @!p0 $0x1082;
	s9 =	sld [smem:$0x3FB2]  }
0x2f: {  	lr =	sadd.s32 s0, s3;
	s0 =	sld [smem:$0x3FA9]  }
0x30: {  	s3 =	sld [smem:$0x3FAC]  }
0x31: {  	[smem:$0x3FB5] =	sst s10  }
0x32: {  	s10 =	sld [smem:$0x3FB3];
	_ =	sdelay $0x3  }
0x33: {  	p0 =	seq.s32 s10, $0x1;
	s10 =	sld [smem:$0x3FB5];
	_ =	sdelay $0x3  }
0x34: {  	[smem:$0x3FB5] =	sst s10  }
0x35: {  	s10 =	sld [smem:$0x3FB4];
	_ =	sdelay $0x3  }
0x36: {  	p1 =	seq.s32 s10, $0x1;
	s10 =	sld [smem:$0x3FB5];
	_ =	sdelay $0x3  }
0x37: {  	[smem:$0x3FB5] =	sst s10  }
0x38: {  	s10 =	sld [smem:$0x3FB6]  }
0x39: {  	_ = 	snop;
	(pc) =	sbr.ind lr, $3  }
0x3a: {  	_ = 	snop  }
0x3b: {  	_ = 	snop  }
0x3c: {  	p2 =	seq.s32 s10, $0x1;
	s10 =	sld [smem:$0x3FB5]  }
0x3d: {  	_ =	shalt  }
0x3e: {  	_ =	shalt  }
0x3f: {  	_ =	shalt  }
0x40: {  	_ =	shalt  }
0x41: {  	_ =	shalt  }
0x42: {  	_ =	shalt  }
0x43: {  	_ =	shalt  }
0x44: {  	_ =	shalt  }
0x45: {  	_ =	shalt  }
0x46: {  	_ =	shalt  }
0x47: {  	_ =	shalt  }
0x48: {  	_ =	shalt  }
0x49: {  	_ =	shalt  }
0x4a: {  	_ =	shalt  }
0x4b: {  	_ =	shalt  }
0x4c: {  	_ =	shalt  }
0x4d: {  	_ =	shalt  }
0x4e: {  	_ =	shalt  }
0x4f: {  	_ =	shalt  }
0x50: {  	_ =	shalt  }
0x51: {  	_ =	shalt  }
0x52: {  	_ =	shalt  }
0x53: {  	_ =	shalt  }
0x54: {  	_ =	shalt  }
0x55: {  	_ =	shalt  }
0x56: {  	_ =	shalt  }
0x57: {  	_ =	shalt  }
0x58: {  	_ =	shalt  }
0x59: {  	_ =	shalt  }
0x5a: {  	_ =	shalt  }
0x5b: {  	_ =	shalt  }
0x5c: {  	_ =	shalt  }
0x5d: {  	_ =	shalt  }
0x5e: {  	_ =	shalt  }
0x5f: {  	_ =	shalt  }
0x60: {  	_ =	shalt  }
0x61: {  	_ =	shalt  }
0x62: {  	_ =	shalt  }
0x63: {  	_ =	shalt  }
0x64: {  	_ =	shalt  }
0x65: {  	_ =	shalt  }
0x66: {  	_ =	shalt  }
0x67: {  	_ =	shalt  }
0x68: {  	_ =	shalt  }
0x69: {  	_ =	shalt  }
0x6a: {  	_ =	shalt  }
0x6b: {  	_ =	shalt  }
0x6c: {  	_ =	shalt  }
0x6d: {  	_ =	shalt  }
0x6e: {  	_ =	shalt  }
0x6f: {  	_ =	shalt  }
0x70: {  	_ =	shalt  }
0x71: {  	_ =	shalt  }
0x72: {  	_ =	shalt  }
0x73: {  	_ =	shalt  }
0x74: {  	_ =	shalt  }
0x75: {  	_ =	shalt  }
0x76: {  	_ =	shalt  }
0x77: {  	_ =	shalt  }
0x78: {  	_ =	shalt  }
0x79: {  	_ =	shalt  }
0x7a: {  	_ =	shalt  }
0x7b: {  	_ =	shalt  }
0x7c: {  	_ =	shalt  }
0x7d: {  	_ =	shalt  }
0x7e: {  	_ =	shalt  }
0x7f: {  	_ =	shalt  }
0x80: {  	_ =	shalt  }
0x81: {  	_ =	shalt  }
0x82: {  	_ =	shalt  }
0x83: {  	_ =	shalt  }
0x84: {  	_ =	shalt  }
0x85: {  	_ =	shalt  }
0x86: {  	_ =	shalt  }
0x87: {  	_ =	shalt  }
.Lfunc_end0:
.L_simem_size_0:
called_computation.1_lowered:
.L_overlay_start_0:
0x88: {  	s2 =	sld [smem:$0x3FD9]  }
0x89: {  	s3 =	sld [smem:$0x3FFE];
	_ =	sdelay $0x1  }
0x8a: {  	s1 =	srdreg.scid  }
0x8b: {  	s0 =	sand.u32 $0x1, s1  }
0x8c: {  	s16 =	sshll.u32 s0, $0xA;
	s2 =	sadd.s32 s3, s2  }
0x8d: {  	s2 =	sadd.s32 s2, s16  }
0x8e: {  	[smem:$0x3FC1] =	sst s2  }
0x8f: {  	_ = 	snop  }
0x90: {  	(tm) =	ssettm $0x1  }
0x91: {  	s17 =	sld [smem:$0x3FFB];
	_ =	sdelay $0x3  }
0x92: {  	_ =	strace s17  }
0x93: {  	s2 =	sld [smem:$0x3FFC];
	_ =	sdelay $0x3  }
0x94: {  	_ =	strace s2  }
0x95: {  	s2 =	sld [smem:$0x3FFD];
	_ =	sdelay $0x3  }
0x96: {  	_ =	strace s2  }
0x97: {  	_ =	strace $0x8FFFFFFF  }
0x98: {  	s18 =	sld [smem:$0x3FDB];
	_ =	sdelay $0x1  }
0x99: {  	s19 =	simm.s32 $_scs_section_size  }
0x9a: {  	s4 =	simm.s32 $_size__tile_overlayer_lowered;
	s5 =	simm.s32 $_tile_overlayer_lowered  }
0x9b: {  	s22 =	simm.s32 $0x1BFF;
	s21 =	sshll.u32 s5, $0x1;
	s2 =	sadd.s32 s19, s18  }
0x9c: {  	s6 =	simm.s32 $0x0;
	s20 =	sshll.u32 s4, $0x1;
	s4 =	sadd.s32 s21, s2  }
0x9d: {  	[timem:s6], [sflag:s22] =	dma.local [hbm:s4], s20  }
0x9e: {  	_ =	swait.ge [sflag:s22], s20  }
0x9f: {  	s3 =	ssub.s32 $0x0, s20;
	[sflag:s22] =	ssyncset.done $0x0  }
0xa0: {  	[sflag:s22] =	ssyncadd.s32 s3;
	_ =	sdelay $0x1  }
0xa1: {  	s23 =	simm.s32 $0x1B8B  }
0xa2: {  	_ =	swait.ge [sflag:s23], $0x1  }
0xa3: {  	[sflag:s23] =	ssyncset.done $0x0  }
0xa4: {  	s25 =	simm.s32 $0x1B8E;
	s24 =	sld [smem:$0x3FFE];
	[sflag:s23] =	ssyncadd.s32 $0xFFFFFFFF  }
0xa5: {  	s26 =	simm.s32 $execute0_lowered;
	[smem:$0x3FD2] =	sst s25  }
0xa6: {  	s4 =	sshll.u32 s26, $0x1;
	_ =	strace $0x80000049;
	[dreg:$0x1] =	wrdreg $0xFFFFFFFF  }
0xa7: {  	s28 =	simm.s32 $_size_execute0_lowered;
	s2 =	sadd.s32 s2, s4;
	[dreg:$0x0] =	wrdreg $0x0  }
0xa8: {  	s4 =	sshll.u32 s28, $0x1;
	[dreg:$0x2] =	wrdreg s2  }
0xa9: {  	[dreg:$0x3] =	wrdreg s4  }
0xaa: {  	[dreg:$0x4] =	wrdreg $0xC0  }
0xab: {  	_ =	task [dreg:s6], $0x5FFFF  }
0xac: {  	[dreg:$0x1] =	wrdreg $0xFFFFFFFF  }
0xad: {  	[dreg:$0x0] =	wrdreg $0x60  }
0xae: {  	[dreg:$0x2] =	wrdreg s24  }
0xaf: {  	[dreg:$0x3] =	wrdreg $0x0  }
0xb0: {  	[dreg:$0x4] =	wrdreg $0x9  }
0xb1: {  	_ =	task.clear_ibuf [dreg:s6], $0x5FFFF;
	_ =	strace $0x90000049  }
0xb2: {  	s29 =	simm.s32 $0x9;
	_ =	strace $0x8000004B  }
0xb3: {  	_ =	swait.ge [sflag:s29], $0x1  }
0xb4: {  	[sflag:s29] =	ssyncadd.s32 $0xFFFFFFFF  }
0xb5: {  	_ =	strace $0x9000004B  }
0xb6: {  	_ =	sfence  }
0xb7: {  	s30 =	sld [smem:$0x0];
	_ =	sdelay $0x2  }
0xb8: {  	s31 =	sshll.u32 s1, $0xD;
	s1 =	sshrl.u32 s1, $0x2  }
0xb9: {  	s3 =	sand.u32 $0x4000, s31;
	s1 =	sadd.s32 s1, s30  }
0xba: {  	s0 =	sor.u32 s3, s0;
	s1 =	sshll.u32 s1, $0x11  }
0xbb: {  	s0 =	sor.u32 s1, s0  }
0xbc: {  	s0 =	sadd.s32 $0x8F2B, s0  }
0xbd: {  	[sflag:s0] =	ssyncadd.remote.s32 $0x1  }
0xbe: {  	_ =	sfence.sel $0xFFFF  }
0xbf: {  	[dreg:$0x0] =	wrdreg $0xFFFFFFFF;
	(pc) =	sbr.abs _section_cstart, $3  }
0xc0: {  	[dreg:$0x1] =	wrdreg $0xFFFFFFFF  }
0xc1: {  	_ =	task.clear_ibuf [dreg:s6], $0x2FFFF;
	_ =	strace $0x9FFFFFFF  }
0xc2: {  	(tm) =	ssettm $0x7FFFFFFF  }
0xc3: {  	_ =	shalt  }
tec
execute0_lowered:
.L_overlay_start_1:
0x0: {  	(tag) =	ssettag $0x1  }
0x1: {  	s5 =	rddreg [dreg:$0x0]  }
0x2: {  	s2 =	rddreg [dreg:$0x1]  }
0x3: {  	s0 =	srdreg.scid;
	s1 =	rddreg [dreg:$0x2];
	s3 =	simm.s32 $0x0  }
0x4: {  	s11 =	simm.s32 $0x2780;
	s12 =	simm.s32 $0x2;
	s13 =	simm.s32 $0x4F00  }
0x5: {  	s14 =	simm.s32 $0x7E80;
	s15 =	simm.s32 $0x80;
	s16 =	simm.s32 $0x7680  }
0x6: {  	s17 =	simm.s32 $0x1;
	s4 =	sand.u32 $0x1, s0;
	s0 =	stileid.u32  }
0x7: {  	s20 =	simm.s32 $0x0;
	[smem:$0x7FF] =	sst s3;
	s6 =	smul.u32 $0x27800, s4  }
0x8: {  	s8 =	smul.u32 $0x2780, s0;
	_ =	strace $0x8000004A;
	s7 =	ssub.s32 $0x2, s4  }
0x9: {  	s4 =	sadd.s32 $0x1200, s5;
	s18 =	sshll.u32 s0, $0x6;
	s31 =	sshrl.u32 s7, $0x1  }
0xa: {  	s18 =	sor.u32 $0x1C02, s18;
	s6 =	sadd.s32 s8, s6;
	s10 =	ssub.s32 s7, s31  }
0xb: {  	s8 =	sadd.s32 s8, s2;
	s6 =	sshrl.u32 s6, $0x3;
	s10 =	smax.u32 s10, $0x1  }
0xc: {  	s19 =	sshrl.u32 s8, $0x3;
	s9 =	sadd.s32 s6, s5;
	s5 =	sadd.s32 $0x19E00, s5  }
0xd: {  	s6 =	sadd.s32 $0x6200, s9;
	s7 =	sadd.s32 $0x10000, s9;
	s9 =	sadd.s32 $0x1A400, s9  }
.LBB2_1:
0xe: {  	[tilespmem:s11], [sflag:$0x2] =	stream.linear.gather [hbm4b:s6+s3], $0x2780, $0x38;
	[tilespmem:$0xA600] =	vst v63  }
0xf: {  	_ =	swait.ge [sflag:s12], $0x2780  }
0x10: {  	[sflag:s12] =	ssyncset.done $0x0  }
0x11: {  	[sflag:s12] =	ssyncadd.s32 $0xFFFFD880  }
0x12: {  	[tilespmem:s13], [sflag:$0x2] =	stream.linear.gather [hbm4b:s7+s3], $0x2780, $0x38;
	[tilespmem:$0xA600] =	vst v63  }
0x13: {  	_ =	swait.ge [sflag:s12], $0x2780  }
0x14: {  	[sflag:s12] =	ssyncset.done $0x0  }
0x15: {  	[sflag:s12] =	ssyncadd.s32 $0xFFFFD880  }
0x16: {  	[tilespmem:s14], [sflag:$0x2] =	stream.linear.gather [hbm4b:s5+s3], $0x2780, $0x38;
	[tilespmem:$0xA600] =	vst v63  }
0x17: {  	_ =	swait.ge [sflag:s12], $0x2780  }
0x18: {  	[sflag:s12] =	ssyncset.done $0x0  }
0x19: {  	[sflag:s12] =	ssyncadd.s32 $0xFFFFD880  }
0x1a: {  	[spmem:s8] =	stream.linear.scatter [tilespmem:s14], [sflag:$0x2], $0x2780, $0x38;
	[tilespmem:$0xA600] =	vst v63  }
0x1b: {  	_ =	swait.ge [sflag:s12], $0x2780  }
0x1c: {  	[sflag:s12] =	ssyncset.done $0x0  }
0x1d: {  	[sflag:s12] =	ssyncadd.s32 $0xFFFFD880  }
0x1e: {  	s21 =	simm.s32 $0x2780;
	[bflag:$0x0] =	sbarrier.arrive $0xFFFF  }
0x1f: {  	[tilespmem:s16], [sflag:$0x1] =	stream.indirect.gather [hbm4b:s4+s15], $0x10, s21, s15, $0xb8;
	[tilespmem:$0xA600] =	vst v63  }
0x20: {  	_ =	swait.ge [sflag:s17], $0x800  }
0x21: {  	[sflag:s17] =	ssyncset.done $0x0  }
0x22: {  	s31 =	simm.s32 $0x4F00;
	[sflag:s17] =	ssyncadd.s32 $0xFFFFF800  }
0x23: {  	[spmem:s2] =	stream.indirect.scatter.add.f32 [tilespmem:s16], [sflag:$0x2], $0x10, s31, s15, $0xb8;
	[tilespmem:$0xA600] =	vst v63  }
0x24: {  	_ =	swait.ge [sflag:s12], $0x800  }
0x25: {  	s22 =	simm.s32 $0x400;
	s21 =	simm.s32 $0x80;
	[sflag:s12] =	ssyncset.done $0x0  }
.LBB2_2:
0x26: {  	s23 =	sadd.s32 $0x2780, s21  }
0x27: {  	[sflag:s12] =	ssyncadd.s32 $0xFFFFF800;
	s24 =	smov.u32 s22;
	s25 =	sadd.s32 $0x200, s22  }
0x28: {  	[tilespmem:s16], [sflag:$0x1] =	stream.indirect.gather [hbm4b:s4+s15], $0x10, s23, s15, $0xb8;
	[tilespmem:$0xA600] =	vst v63  }
0x29: {  	p0 =	sne.s32 s22, $0x9C00;
	_ =	swait.ge [sflag:s17], $0x800  }
.Ltmp0:
0x2a: {  	[sflag:s17] =	ssyncset.done $0x0;
	(pc) =	sbr.rel @p0 .LBB2_2-.Ltmp0, $4  }
0x2b: {  	s21 =	sadd.s32 $0x4F00, s21;
	[sflag:s17] =	ssyncadd.s32 $0xFFFFF800  }
0x2c: {  	[spmem:s2] =	stream.indirect.scatter.add.f32 [tilespmem:s16], [sflag:$0x2], $0x10, s21, s15, $0xb8;
	[tilespmem:$0xA600] =	vst v63  }
0x2d: {  	_ =	swait.ge [sflag:s12], $0x800  }
0x2e: {  	s22 =	smov.u32 s25;
	s21 =	sshra.s32 s24, $0x2;
	[sflag:s12] =	ssyncset.done $0x0  }
0x2f: {  	s22 =	sadd.s32 $0x2780, s21;
	[sflag:s12] =	ssyncadd.s32 $0xFFFFF800  }
0x30: {  	[tilespmem:s16], [sflag:$0x1] =	stream.indirect.gather [hbm4b:s4+s15], $0x10, s22, s15, $0xb8;
	[tilespmem:$0xA600] =	vst v63  }
0x31: {  	_ =	swait.ge [sflag:s17], $0x800  }
0x32: {  	[sflag:s17] =	ssyncset.done $0x0  }
0x33: {  	s31 =	sadd.s32 $0x4F00, s21;
	[sflag:s17] =	ssyncadd.s32 $0xFFFFF800  }
0x34: {  	[spmem:s2] =	stream.indirect.scatter.add.f32 [tilespmem:s16], [sflag:$0x2], $0x10, s31, s15, $0xb8;
	[tilespmem:$0xA600] =	vst v63  }
0x35: {  	_ =	swait.ge [sflag:s12], $0x800  }
0x36: {  	s20 =	sadd.s32 $0x1, s20;
	[sflag:s12] =	ssyncset.done $0x0  }
0x37: {  	p0 =	sne.s32 s20, s10;
	[sflag:s12] =	ssyncadd.s32 $0xFFFFF800  }
.Ltmp1:
0x38: {  	[bflag:$0x0] =	sbarrier.arrive $0xFFFF;
	(pc) =	sbr.rel @p0 .LBB2_1-.Ltmp1, $4  }
0x39: {  	[hbm:s9], [sflag:s18] =	dma.local [spmem:s19], $0x4F0  }
0x3a: {  	_ =	swait.ge [sflag:s12], $0x4F0  }
0x3b: {  	[sflag:s12] =	ssyncset.done $0x0  }
0x3c: {  	[sflag:s12] =	ssyncadd.s32 $0xFFFFFB10  }
0x3d: {  	_ =	sfence.sel $0x180000  }
0x3e: {  	[bflag:$0x0] =	sbarrier.arrive $0xFFFF  }
0x3f: {  	p0 =	sne.s32 s0, $0x0;
	_ =	strace $0x9000004A  }
0x40: {  	s0 =	sadd.s32 @!p0 $0x100000, s1;
	[bflag:$0x2] =	sbarrier.arrive $0xFFFF  }
0x41: {  	[sflag:s0] =	ssyncadd.tile.s32 @!p0 $0x1;
	_ =	shalt  }
.Lfunc_end2:
_tile_overlayer_lowered:
.L_overlay_start_2:
0x42: {  	(tag) =	ssettag $0x2  }
0x43: {  	s0 =	rddreg [dreg:$0x0];
	s2 =	stileid.u32  }
0x44: {  	s1 =	rddreg [dreg:$0x1];
	p0 =	sne.s32 s2, $0x0  }
0x45: {  	s3 =	rddreg [dreg:$0x2];
	[bflag:$0x3] =	sbarrier.arrive $0xFFFF;
	s2 =	simm.s32 @!p0 $0x1C02  }
0x46: {  	[timem:s3], [sflag:s2] =	dma.local @!p0 [hbm:s0], s1  }
0x47: {  	s0 =	simm.s32 @!p0 $0x2  }
0x48: {  	_ =	swait.ge @!p0 [sflag:s0], s1  }
0x49: {  	s1 =	ssub.s32 @!p0 $0x0, s1;
	[sflag:s0] =	ssyncset.done @!p0 $0x0  }
0x4a: {  	[sflag:s0] =	ssyncadd.s32 @!p0 s1  }
0x4b: {  	[bflag:$0x3] =	sbarrier.arrive $0xFFFF  }
0x4c: {  	_ =	shalt  }

// kernel: kernel.7.cloned.1.call-start
scs
__scs_entry_jumppad:
0x0: {  	(pc) =	sbr.rel $0x88, $3  }
0x1: {  	(tag) =	ssettag $0x0;
	lr =	simm.s32 $0x1  }
0x2: {  	[smem:$0x3F9A] =	sst lr;
	_ =	strace $0xD0000000  }
0x3: {  	_ = 	snop  }
0x4: {  	_ = 	snop  }
0x5: {  	_ = 	snop  }
0x6: {  	_ = 	snop  }
0x7: {  	_ = 	snop  }
__scs_overlays_trampoline_lowered:
0x8: {  	[smem:$0x3FA9] =	sst s0  }
0x9: {  	[smem:$0x3FAA] =	sst s1  }
0xa: {  	[smem:$0x3FAB] =	sst s2  }
0xb: {  	[smem:$0x3FAC] =	sst s3  }
0xc: {  	[smem:$0x3FAD] =	sst s4  }
0xd: {  	[smem:$0x3FAE] =	sst s5  }
0xe: {  	[smem:$0x3FAF] =	sst s6  }
0xf: {  	[smem:$0x3FB0] =	sst s7  }
0x10: {  	[smem:$0x3FB1] =	sst s8  }
0x11: {  	[smem:$0x3FB2] =	sst s9;
	s0 =	simm.s32 @!p0 $0x0  }
0x12: {  	s1 =	sld [smem:$0x3F98];
	s0 =	simm.s32 @p0 $0x1  }
0x13: {  	[smem:$0x3FB3] =	sst s0;
	s0 =	simm.s32 @!p1 $0x0  }
0x14: {  	s2 =	sld [smem:$0x3F97];
	s0 =	simm.s32 @p1 $0x1  }
0x15: {  	[smem:$0x3FB4] =	sst s0;
	s0 =	simm.s32 @!p2 $0x0  }
0x16: {  	s3 =	sld [smem:$0x3FDB];
	s0 =	simm.s32 @p2 $0x1  }
0x17: {  	s4 =	simm.s32 $0x1BF5;
	[smem:$0x3FB6] =	sst s0  }
0x18: {  	s0 =	sld [smem:$0x3F99];
	_ =	swait.ge [sflag:s4], $0x0  }
0x19: {  	s7 =	sld [smem:$0x3F9A]  }
0x1a: {  	s8 =	sadd.s32 $0xFFFFE003, lr  }
0x1b: {  	s9 =	sadd.s32 $0xFFFFFEF7, lr;
	s5 =	simm.s32 $0xFFFFFFFF;
	p2 =	slt.u32 s8, $0xFFFFF086  }
0x1c: {  	p1 =	slt.u32 s9, $0xF7A;
	s5 =	simm.s32 @!p2 $0x0  }
0x1d: {  	s5 =	simm.s32 @p1 $0x1;
	p0 =	seq.s32 s7, s2  }
0x1e: {  	s7 =	smul.u32 @!p0 $0xF7A, s2;
	p2 =	seq.s32 @!p0 s5, $0x0  }
0x1f: {  	s9 =	smul.u32 $0xF7A, s1;
	s8 =	simm.s32 @!p0 $0x1BF5;
	p2 =	por !p2, p0  }
0x20: {  	[sflag:s8] =	ssyncset.s32 @!p0 $0xFFFFF086;
	s6 =	sadd.s32 @!p0 s3, s7;
	s7 =	simm.s32 @!p0 $0x108  }
0x21: {  	s3 =	sadd.s32 s3, s9;
	s6 =	sadd.s32 @!p0 $0x88, s6;
	s7 =	simm.s32 @p2 $0x1082  }
0x22: {  	[simem:s7], [sflag:s8] =	dma.local @!p0 [hbm:s6], $0xF7A  }
0x23: {  	s9 =	sor.u32 $0xD0000000, s2;
	s6 =	simm.s32 $0x108;
	_ =	swait.ge @!p0 [sflag:s8], $0x0  }
0x24: {  	s3 =	sadd.s32 $0x88, s3;
	s6 =	simm.s32 @!p1 $0x1082;
	[sflag:s4] =	ssyncset.s32 $0xFFFFF086  }
0x25: {  	[simem:s6], [sflag:s4] =	dma.local [hbm:s3], $0xF7A  }
0x26: {  	[smem:$0x3F9A] =	sst s1;
	(tag) =	ssettag s2;
	_ =	strace s9  }
0x27: {  	s1 =	sld [smem:$0x3FAA]  }
0x28: {  	s2 =	sld [smem:$0x3FAB]  }
0x29: {  	s4 =	sld [smem:$0x3FAD]  }
0x2a: {  	p0 =	seq.s32 s5, $0x0;
	s5 =	sld [smem:$0x3FAE]  }
0x2b: {  	s6 =	sld [smem:$0x3FAF]  }
0x2c: {  	s7 =	sld [smem:$0x3FB0]  }
0x2d: {  	s3 =	simm.s32 $0x108;
	s8 =	sld [smem:$0x3FB1]  }
0x2e: {  	s3 =	simm.s32 @!p0 $0x1082;
	s9 =	sld [smem:$0x3FB2]  }
0x2f: {  	lr =	sadd.s32 s0, s3;
	s0 =	sld [smem:$0x3FA9]  }
0x30: {  	s3 =	sld [smem:$0x3FAC]  }
0x31: {  	[smem:$0x3FB5] =	sst s10  }
0x32: {  	s10 =	sld [smem:$0x3FB3];
	_ =	sdelay $0x3  }
0x33: {  	p0 =	seq.s32 s10, $0x1;
	s10 =	sld [smem:$0x3FB5];
	_ =	sdelay $0x3  }
0x34: {  	[smem:$0x3FB5] =	sst s10  }
0x35: {  	s10 =	sld [smem:$0x3FB4];
	_ =	sdelay $0x3  }
0x36: {  	p1 =	seq.s32 s10, $0x1;
	s10 =	sld [smem:$0x3FB5];
	_ =	sdelay $0x3  }
0x37: {  	[smem:$0x3FB5] =	sst s10  }
0x38: {  	s10 =	sld [smem:$0x3FB6]  }
0x39: {  	_ = 	snop;
	(pc) =	sbr.ind lr, $3  }
0x3a: {  	_ = 	snop  }
0x3b: {  	_ = 	snop  }
0x3c: {  	p2 =	seq.s32 s10, $0x1;
	s10 =	sld [smem:$0x3FB5]  }
0x3d: {  	_ =	shalt  }
0x3e: {  	_ =	shalt  }
0x3f: {  	_ =	shalt  }
0x40: {  	_ =	shalt  }
0x41: {  	_ =	shalt  }
0x42: {  	_ =	shalt  }
0x43: {  	_ =	shalt  }
0x44: {  	_ =	shalt  }
0x45: {  	_ =	shalt  }
0x46: {  	_ =	shalt  }
0x47: {  	_ =	shalt  }
0x48: {  	_ =	shalt  }
0x49: {  	_ =	shalt  }
0x4a: {  	_ =	shalt  }
0x4b: {  	_ =	shalt  }
0x4c: {  	_ =	shalt  }
0x4d: {  	_ =	shalt  }
0x4e: {  	_ =	shalt  }
0x4f: {  	_ =	shalt  }
0x50: {  	_ =	shalt  }
0x51: {  	_ =	shalt  }
0x52: {  	_ =	shalt  }
0x53: {  	_ =	shalt  }
0x54: {  	_ =	shalt  }
0x55: {  	_ =	shalt  }
0x56: {  	_ =	shalt  }
0x57: {  	_ =	shalt  }
0x58: {  	_ =	shalt  }
0x59: {  	_ =	shalt  }
0x5a: {  	_ =	shalt  }
0x5b: {  	_ =	shalt  }
0x5c: {  	_ =	shalt  }
0x5d: {  	_ =	shalt  }
0x5e: {  	_ =	shalt  }
0x5f: {  	_ =	shalt  }
0x60: {  	_ =	shalt  }
0x61: {  	_ =	shalt  }
0x62: {  	_ =	shalt  }
0x63: {  	_ =	shalt  }
0x64: {  	_ =	shalt  }
0x65: {  	_ =	shalt  }
0x66: {  	_ =	shalt  }
0x67: {  	_ =	shalt  }
0x68: {  	_ =	shalt  }
0x69: {  	_ =	shalt  }
0x6a: {  	_ =	shalt  }
0x6b: {  	_ =	shalt  }
0x6c: {  	_ =	shalt  }
0x6d: {  	_ =	shalt  }
0x6e: {  	_ =	shalt  }
0x6f: {  	_ =	shalt  }
0x70: {  	_ =	shalt  }
0x71: {  	_ =	shalt  }
0x72: {  	_ =	shalt  }
0x73: {  	_ =	shalt  }
0x74: {  	_ =	shalt  }
0x75: {  	_ =	shalt  }
0x76: {  	_ =	shalt  }
0x77: {  	_ =	shalt  }
0x78: {  	_ =	shalt  }
0x79: {  	_ =	shalt  }
0x7a: {  	_ =	shalt  }
0x7b: {  	_ =	shalt  }
0x7c: {  	_ =	shalt  }
0x7d: {  	_ =	shalt  }
0x7e: {  	_ =	shalt  }
0x7f: {  	_ =	shalt  }
0x80: {  	_ =	shalt  }
0x81: {  	_ =	shalt  }
0x82: {  	_ =	shalt  }
0x83: {  	_ =	shalt  }
0x84: {  	_ =	shalt  }
0x85: {  	_ =	shalt  }
0x86: {  	_ =	shalt  }
0x87: {  	_ =	shalt  }
.Lfunc_end0:
.L_simem_size_0:
called_computation_lowered:
.L_overlay_start_0:
0x88: {  	s2 =	sld [smem:$0x3FD9]  }
0x89: {  	s3 =	sld [smem:$0x3FFE];
	_ =	sdelay $0x1  }
0x8a: {  	s1 =	srdreg.scid  }
0x8b: {  	s0 =	sand.u32 $0x1, s1  }
0x8c: {  	s17 =	sshll.u32 s0, $0xA;
	s2 =	sadd.s32 s3, s2  }
0x8d: {  	s2 =	sadd.s32 s2, s17  }
0x8e: {  	[smem:$0x3FC1] =	sst s2  }
0x8f: {  	_ = 	snop  }
0x90: {  	s2 =	sld [smem:$0x3FD0];
	(tm) =	ssettm $0x1  }
0x91: {  	s18 =	sld [smem:$0x3FFB];
	_ =	sdelay $0x3  }
0x92: {  	_ =	strace s18  }
0x93: {  	s3 =	sld [smem:$0x3FFC];
	_ =	sdelay $0x3  }
0x94: {  	_ =	strace s3  }
0x95: {  	s3 =	sld [smem:$0x3FFD];
	_ =	sdelay $0x3  }
0x96: {  	_ =	strace s3  }
0x97: {  	_ =	strace $0x8FFFFFFF  }
0x98: {  	s19 =	sld [smem:$0x3FDB];
	_ =	sdelay $0x1  }
0x99: {  	s4 =	simm.s32 $_scs_section_size  }
0x9a: {  	s5 =	simm.s32 $_size__tile_overlayer_lowered;
	s6 =	simm.s32 $_tile_overlayer_lowered  }
0x9b: {  	s22 =	simm.s32 $0x1BFF;
	s21 =	sshll.u32 s6, $0x1;
	s3 =	sadd.s32 s4, s19  }
0x9c: {  	s7 =	simm.s32 $0x0;
	s20 =	sshll.u32 s5, $0x1;
	s5 =	sadd.s32 s21, s3  }
0x9d: {  	[timem:s7], [sflag:s22] =	dma.local [hbm:s5], s20  }
0x9e: {  	_ =	swait.ge [sflag:s22], s20  }
0x9f: {  	s4 =	ssub.s32 $0x0, s20;
	[sflag:s22] =	ssyncset.done $0x0  }
0xa0: {  	[sflag:s22] =	ssyncadd.s32 s4;
	_ =	sdelay $0x1  }
0xa1: {  	s23 =	simm.s32 $0x1B8B  }
0xa2: {  	_ =	swait.ge [sflag:s23], $0x1  }
0xa3: {  	[sflag:s23] =	ssyncset.done $0x0  }
0xa4: {  	s25 =	simm.s32 $0x1B8E;
	s24 =	sld [smem:$0x3FFE];
	[sflag:s23] =	ssyncadd.s32 $0xFFFFFFFF  }
0xa5: {  	s26 =	simm.s32 $execute0_lowered;
	[smem:$0x3FD2] =	sst s25  }
0xa6: {  	s5 =	sshll.u32 s26, $0x1;
	_ =	strace $0x80000046;
	[dreg:$0x1] =	wrdreg $0xFFFFFFFF  }
0xa7: {  	s28 =	simm.s32 $_size_execute0_lowered;
	s3 =	sadd.s32 s3, s5;
	[dreg:$0x0] =	wrdreg $0x0  }
0xa8: {  	s5 =	sshll.u32 s28, $0x1;
	[dreg:$0x2] =	wrdreg s3  }
0xa9: {  	[dreg:$0x3] =	wrdreg s5  }
0xaa: {  	[dreg:$0x4] =	wrdreg $0xC0  }
0xab: {  	_ =	task [dreg:s7], $0x5FFFF  }
0xac: {  	[dreg:$0x1] =	wrdreg $0xFFFFFFFF  }
0xad: {  	[dreg:$0x0] =	wrdreg $0x60  }
0xae: {  	[dreg:$0x2] =	wrdreg s24  }
0xaf: {  	[dreg:$0x3] =	wrdreg s2  }
0xb0: {  	[dreg:$0x4] =	wrdreg $0x0  }
0xb1: {  	[dreg:$0x5] =	wrdreg $0x27800  }
0xb2: {  	[dreg:$0x6] =	wrdreg $0x9  }
0xb3: {  	_ =	task.clear_ibuf [dreg:s7], $0x7FFFF;
	_ =	strace $0x90000046  }
0xb4: {  	s29 =	simm.s32 $0x9;
	_ =	strace $0x80000048  }
0xb5: {  	_ =	swait.ge [sflag:s29], $0x1  }
0xb6: {  	[sflag:s29] =	ssyncadd.s32 $0xFFFFFFFF  }
0xb7: {  	_ =	strace $0x90000048  }
0xb8: {  	_ =	sfence  }
0xb9: {  	s30 =	sld [smem:$0x0];
	_ =	sdelay $0x2  }
0xba: {  	s31 =	sshll.u32 s1, $0xD;
	s1 =	sshrl.u32 s1, $0x2  }
0xbb: {  	s3 =	sand.u32 $0x4000, s31;
	s1 =	sadd.s32 s1, s30  }
0xbc: {  	s0 =	sor.u32 s3, s0;
	s1 =	sshll.u32 s1, $0x11  }
0xbd: {  	s0 =	sor.u32 s1, s0  }
0xbe: {  	s0 =	sadd.s32 $0x8F2B, s0  }
0xbf: {  	[sflag:s0] =	ssyncadd.remote.s32 $0x1  }
0xc0: {  	_ =	sfence.sel $0xFFFF  }
0xc1: {  	[dreg:$0x0] =	wrdreg $0xFFFFFFFF;
	(pc) =	sbr.abs _section_cstart, $3  }
0xc2: {  	[dreg:$0x1] =	wrdreg $0xFFFFFFFF  }
0xc3: {  	_ =	task.clear_ibuf [dreg:s7], $0x2FFFF;
	_ =	strace $0x9FFFFFFF  }
0xc4: {  	(tm) =	ssettm $0x7FFFFFFF  }
0xc5: {  	_ =	shalt  }
tec
execute0_lowered:
.L_overlay_start_1:
0x0: {  	(tag) =	ssettag $0x1  }
0x1: {  	s8 =	rddreg [dreg:$0x0]  }
0x2: {  	s0 =	rddreg [dreg:$0x1]  }
0x3: {  	s3 =	rddreg [dreg:$0x2];
	s1 =	srdreg.scid  }
0x4: {  	s4 =	rddreg [dreg:$0x3];
	s2 =	stileid.u32;
	s5 =	simm.s32 $0x0  }
0x5: {  	s15 =	simm.s32 $0x4F00;
	s16 =	simm.s32 $0x2;
	s17 =	simm.s32 $0x7680  }
0x6: {  	s18 =	simm.s32 $0xA600;
	s19 =	simm.s32 $0xCD80;
	s20 =	simm.s32 $0x80  }
0x7: {  	s21 =	simm.s32 $0x9E00;
	s22 =	simm.s32 $0x1;
	s26 =	simm.s32 $0x0  }
0x8: {  	s7 =	sand.u32 $0x1, s1;
	s11 =	smul.u32 $0x2780, s2;
	[smem:$0x7FF] =	sst s5  }
0x9: {  	s23 =	sshll.u32 s2, $0x6;
	s6 =	smul.u32 $0x27800, s7;
	_ =	strace $0x80000047  }
0xa: {  	s10 =	ssub.s32 $0x2, s7;
	s7 =	sadd.s32 $0x19E00, s8;
	s23 =	sor.u32 $0x1C02, s23  }
0xb: {  	s31 =	sshrl.u32 s10, $0x1;
	s9 =	sadd.s32 s11, s6;
	s6 =	sadd.s32 $0x1200, s8  }
0xc: {  	s14 =	ssub.s32 s10, s31;
	s10 =	sadd.s32 s11, s3;
	s9 =	sshrl.u32 s9, $0x3  }
0xd: {  	s11 =	sadd.s32 s11, s4;
	s14 =	smax.u32 s14, $0x1;
	s13 =	sadd.s32 s9, s8  }
0xe: {  	s24 =	sshrl.u32 s10, $0x3;
	s25 =	sshrl.u32 s11, $0x3;
	s8 =	sadd.s32 $0x6200, s13  }
0xf: {  	s9 =	sadd.s32 $0x10000, s13;
	s12 =	sadd.s32 $0x1A400, s13;
	s13 =	sadd.s32 $0x24200, s13  }
.LBB2_1:
0x10: {  	[tilespmem:s15], [sflag:$0x2] =	stream.linear.gather [hbm4b:s8+s5], $0x2780, $0x38;
	[tilespmem:$0xD580] =	vst v63  }
0x11: {  	_ =	swait.ge [sflag:s16], $0x2780  }
0x12: {  	[sflag:s16] =	ssyncset.done $0x0  }
0x13: {  	[sflag:s16] =	ssyncadd.s32 $0xFFFFD880  }
0x14: {  	[tilespmem:s17], [sflag:$0x2] =	stream.linear.gather [hbm4b:s9+s5], $0x2780, $0x38;
	[tilespmem:$0xD580] =	vst v63  }
0x15: {  	_ =	swait.ge [sflag:s16], $0x2780  }
0x16: {  	[sflag:s16] =	ssyncset.done $0x0  }
0x17: {  	[sflag:s16] =	ssyncadd.s32 $0xFFFFD880  }
0x18: {  	[tilespmem:s18], [sflag:$0x2] =	stream.linear.gather [hbm4b:s7+s5], $0x2780, $0x38;
	[tilespmem:$0xD580] =	vst v63  }
0x19: {  	_ =	swait.ge [sflag:s16], $0x2780  }
0x1a: {  	[sflag:s16] =	ssyncset.done $0x0  }
0x1b: {  	[sflag:s16] =	ssyncadd.s32 $0xFFFFD880  }
0x1c: {  	[tilespmem:s19], [sflag:$0x2] =	stream.linear.gather [hbm4b:s0+s5], $0x800, $0x38;
	[tilespmem:$0xD580] =	vst v63  }
0x1d: {  	_ =	swait.ge [sflag:s16], $0x800  }
0x1e: {  	[sflag:s16] =	ssyncset.done $0x0  }
0x1f: {  	[sflag:s16] =	ssyncadd.s32 $0xFFFFF800  }
0x20: {  	[spmem:s10] =	stream.linear.scatter [tilespmem:s18], [sflag:$0x2], $0x2780, $0x38;
	[tilespmem:$0xD580] =	vst v63  }
0x21: {  	_ =	swait.ge [sflag:s16], $0x2780  }
0x22: {  	[sflag:s16] =	ssyncset.done $0x0  }
0x23: {  	[sflag:s16] =	ssyncadd.s32 $0xFFFFD880  }
0x24: {  	[spmem:s11] =	stream.linear.scatter [tilespmem:s18], [sflag:$0x2], $0x2780, $0x38;
	[tilespmem:$0xD580] =	vst v63  }
0x25: {  	_ =	swait.ge [sflag:s16], $0x2780  }
0x26: {  	[sflag:s16] =	ssyncset.done $0x0  }
0x27: {  	[sflag:s16] =	ssyncadd.s32 $0xFFFFD880  }
0x28: {  	s28 =	simm.s32 $0x4F00;
	[bflag:$0x0] =	sbarrier.arrive $0xFFFF  }
0x29: {  	[tilespmem:s21], [sflag:$0x1] =	stream.indirect.gather [hbm4b:s6+s20], $0x10, s28, s20, $0xb8;
	[tilespmem:$0xD580] =	vst v63  }
0x2a: {  	_ =	swait.ge [sflag:s22], $0x800  }
0x2b: {  	[sflag:s22] =	ssyncset.done $0x0  }
0x2c: {  	s28 =	simm.s32 $0x7680;
	[sflag:s22] =	ssyncadd.s32 $0xFFFFF800  }
0x2d: {  	[spmem:s3] =	stream.indirect.scatter.add.f32 [tilespmem:s21], [sflag:$0x2], $0x10, s28, s20, $0xb8;
	[tilespmem:$0xD580] =	vst v63  }
0x2e: {  	_ =	swait.ge [sflag:s16], $0x800  }
0x2f: {  	[sflag:s16] =	ssyncset.done $0x0  }
0x30: {  	[sflag:s16] =	ssyncadd.s32 $0xFFFFF800  }
0x31: {  	[spmem:s4] =	stream.indirect.scatter.add.f32 [tilespmem:s19], [sflag:$0x2], $0x10, s28, s20, $0xb8;
	[tilespmem:$0xD580] =	vst v63  }
0x32: {  	_ =	swait.ge [sflag:s16], $0x800  }
0x33: {  	s29 =	simm.s32 $0x400;
	s28 =	simm.s32 $0x80;
	[sflag:s16] =	ssyncset.done $0x0  }
.LBB2_2:
0x34: {  	s30 =	sadd.s32 $0x4F00, s28  }
0x35: {  	[sflag:s16] =	ssyncadd.s32 $0xFFFFF800;
	s31 =	smov.u32 s29;
	s1 =	sadd.s32 $0x200, s29  }
0x36: {  	[tilespmem:s21], [sflag:$0x1] =	stream.indirect.gather [hbm4b:s6+s20], $0x10, s30, s20, $0xb8;
	[tilespmem:$0xD580] =	vst v63  }
0x37: {  	p0 =	sne.s32 s29, $0x9C00;
	_ =	swait.ge [sflag:s22], $0x800  }
0x38: {  	[sflag:s22] =	ssyncset.done $0x0  }
0x39: {  	s28 =	sadd.s32 $0x7680, s28;
	[sflag:s22] =	ssyncadd.s32 $0xFFFFF800  }
0x3a: {  	[spmem:s3] =	stream.indirect.scatter.add.f32 [tilespmem:s21], [sflag:$0x2], $0x10, s28, s20, $0xb8;
	[tilespmem:$0xD580] =	vst v63  }
0x3b: {  	_ =	swait.ge [sflag:s16], $0x800  }
.Ltmp0:
0x3c: {  	[sflag:s16] =	ssyncset.done $0x0;
	(pc) =	sbr.rel @p0 .LBB2_2-.Ltmp0, $4  }
0x3d: {  	[sflag:s16] =	ssyncadd.s32 $0xFFFFF800  }
0x3e: {  	[spmem:s4] =	stream.indirect.scatter.add.f32 [tilespmem:s19], [sflag:$0x2], $0x10, s28, s20, $0xb8;
	[tilespmem:$0xD580] =	vst v63  }
0x3f: {  	_ =	swait.ge [sflag:s16], $0x800  }
0x40: {  	s29 =	smov.u32 s1;
	s28 =	sshra.s32 s31, $0x2;
	[sflag:s16] =	ssyncset.done $0x0  }
0x41: {  	s1 =	sadd.s32 $0x4F00, s28;
	[sflag:s16] =	ssyncadd.s32 $0xFFFFF800  }
0x42: {  	[tilespmem:s21], [sflag:$0x1] =	stream.indirect.gather [hbm4b:s6+s20], $0x10, s1, s20, $0xb8;
	[tilespmem:$0xD580] =	vst v63  }
0x43: {  	_ =	swait.ge [sflag:s22], $0x800  }
0x44: {  	[sflag:s22] =	ssyncset.done $0x0  }
0x45: {  	s31 =	sadd.s32 $0x7680, s28;
	[sflag:s22] =	ssyncadd.s32 $0xFFFFF800  }
0x46: {  	[spmem:s3] =	stream.indirect.scatter.add.f32 [tilespmem:s21], [sflag:$0x2], $0x10, s31, s20, $0xb8;
	[tilespmem:$0xD580] =	vst v63  }
0x47: {  	_ =	swait.ge [sflag:s16], $0x800  }
0x48: {  	[sflag:s16] =	ssyncset.done $0x0  }
0x49: {  	[sflag:s16] =	ssyncadd.s32 $0xFFFFF800  }
0x4a: {  	[spmem:s4] =	stream.indirect.scatter.add.f32 [tilespmem:s19], [sflag:$0x2], $0x10, s31, s20, $0xb8;
	[tilespmem:$0xD580] =	vst v63  }
0x4b: {  	_ =	swait.ge [sflag:s16], $0x800  }
0x4c: {  	[sflag:s16] =	ssyncset.done $0x0  }
0x4d: {  	[sflag:s16] =	ssyncadd.s32 $0xFFFFF800  }
0x4e: {  	[bflag:$0x0] =	sbarrier.arrive $0xFFFF  }
0x4f: {  	[hbm:s12], [sflag:s23] =	dma.local [spmem:s24], $0x4F0  }
0x50: {  	s26 =	sadd.s32 $0x1, s26;
	_ =	swait.ge [sflag:s16], $0x4F0  }
0x51: {  	p0 =	sne.s32 s26, s14;
	[sflag:s16] =	ssyncset.done $0x0  }
.Ltmp1:
0x52: {  	[sflag:s16] =	ssyncadd.s32 $0xFFFFFB10;
	(pc) =	sbr.rel @p0 .LBB2_1-.Ltmp1, $4  }
0x53: {  	[hbm:s13], [sflag:s23] =	dma.local [spmem:s25], $0x4F0  }
0x54: {  	_ =	swait.ge [sflag:s16], $0x4F0  }
0x55: {  	[sflag:s16] =	ssyncset.done $0x0  }
0x56: {  	[sflag:s16] =	ssyncadd.s32 $0xFFFFFB10  }
0x57: {  	_ =	sfence.sel $0x180000  }
0x58: {  	[bflag:$0x0] =	sbarrier.arrive $0xFFFF  }
0x59: {  	_ =	strace $0x90000047  }
0x5a: {  	[bflag:$0x2] =	sbarrier.arrive $0xFFFF  }
0x5b: {  	p0 =	sne.s32 s2, $0x0;
	s0 =	rddreg [dreg:$0x4]  }
0x5c: {  	s0 =	sadd.s32 @!p0 $0x100000, s0  }
0x5d: {  	[sflag:s0] =	ssyncadd.tile.s32 @!p0 $0x1;
	_ =	shalt  }
.Lfunc_end2:
_tile_overlayer_lowered:
.L_overlay_start_2:
0x5e: {  	(tag) =	ssettag $0x2  }
0x5f: {  	s0 =	rddreg [dreg:$0x0];
	s2 =	stileid.u32  }
0x60: {  	s1 =	rddreg [dreg:$0x1];
	p0 =	sne.s32 s2, $0x0  }
0x61: {  	s3 =	rddreg [dreg:$0x2];
	[bflag:$0x3] =	sbarrier.arrive $0xFFFF;
	s2 =	simm.s32 @!p0 $0x1C02  }
0x62: {  	[timem:s3], [sflag:s2] =	dma.local @!p0 [hbm:s0], s1  }
0x63: {  	s0 =	simm.s32 @!p0 $0x2  }
0x64: {  	_ =	swait.ge @!p0 [sflag:s0], s1  }
0x65: {  	s1 =	ssub.s32 @!p0 $0x0, s1;
	[sflag:s0] =	ssyncset.done @!p0 $0x0  }
0x66: {  	[sflag:s0] =	ssyncadd.s32 @!p0 s1  }
0x67: {  	[bflag:$0x3] =	sbarrier.arrive $0xFFFF  }
0x68: {  	_ =	shalt  }

</sc_bundles>
